<compile_context>
chip_gen: v7x
topology: tpu7x:2x2x1
jax: 0.10.2.dev20260603
libtpu: 0.0.44.dev20260713+nightly
codegen_flags: <defaults>
</compile_context>

<pallas_src>
import functools

import jax
import jax.numpy as jnp
from jax import lax
from jax.experimental import pallas as pl
from jax.experimental.pallas import tpu as pltpu
from jax.experimental.pallas import tpu_sc as plsc



def _add_block(patches_ref, pos_ref, out_ref):
    out_ref[...] = patches_ref[...] + pos_ref[...]


def _tc_add(patches, pos_table, bb=8):
    batch, n_patches, model_dim = patches.shape
    return pl.pallas_call(
        _add_block,
        grid=(batch // bb,),
        compiler_params=pltpu.CompilerParams(vmem_limit_bytes=120 * 1024 * 1024),
        in_specs=[
            pl.BlockSpec((bb, n_patches, model_dim), lambda i: (i, 0, 0)),
            pl.BlockSpec((n_patches, model_dim), lambda i: (0, 0)),
        ],
        out_specs=pl.BlockSpec((bb, n_patches, model_dim), lambda i: (i, 0, 0)),
        out_shape=jax.ShapeDtypeStruct((batch, n_patches, model_dim), patches.dtype),
    )(patches, pos_table)



_NC = 2
_NS = 16
_L = 16
_NW = _NC * _NS

_BATCH = 64
_ROW = 576 * 768
_BPW = _BATCH // _NW
_CH = 24 * 768
_NCHUNK = _ROW // _CH
_NSTEP = _NCHUNK * _BPW
_UNROLL = 8


def _sc_body(pf_hbm, posf_hbm, out_hbm,
             pat0, pat1, pat2, pat3, posA, posB,
             pin0, pin1, pin2, pin3, pout0, pout1, pout2, pout3, psA, psB):
    wid = lax.axis_index("s") * _NC + lax.axis_index("c")
    pat = [pat0, pat1, pat2, pat3]
    pin = [pin0, pin1, pin2, pin3]
    pout = [pout0, pout1, pout2, pout3]
    pos = [posA, posB]
    pss = [psA, psB]

    def pat_base(t):
        c = t // 2
        bi = t - 2 * c if not isinstance(t, int) else t % 2
        return (wid * _BPW + bi) * _ROW + c * _CH

    def start_pat_in(t, j):
        pltpu.async_copy(pf_hbm.at[pl.ds(pat_base(t), _CH)], pat[j], pin[j])

    def wait_pat_in(j):
        pltpu.make_async_copy(pf_hbm.at[pl.ds(0, _CH)], pat[j], pin[j]).wait()

    def start_pat_out(t, j):
        pltpu.async_copy(pat[j], out_hbm.at[pl.ds(pat_base(t), _CH)], pout[j])

    def wait_pat_out(j):
        pltpu.make_async_copy(pat[j], out_hbm.at[pl.ds(0, _CH)], pout[j]).wait()

    def start_pos(c, k):
        c = jnp.minimum(c, _NCHUNK - 1)
        pltpu.async_copy(posf_hbm.at[pl.ds(c * _CH, _CH)], pos[k], pss[k])

    def wait_pos(k):
        pltpu.make_async_copy(posf_hbm.at[pl.ds(0, _CH)], pos[k], pss[k]).wait()

    def compute(j, k):
        def vec_body(i, carry):
            off = i * (_L * _UNROLL)
            for u in range(_UNROLL):
                o = off + u * _L
                plsc.addupdate(pat[j].at[pl.ds(o, _L)], pos[k][pl.ds(o, _L)])
            return carry

        lax.fori_loop(0, _CH // (_L * _UNROLL), vec_body, 0)

    def do_step(t, tstat, first_block, last_block):
        u = tstat % 4
        j = u
        k = (tstat // 2) % 2
        if u == 0:
            wait_pos(k)
            start_pos(t // 2 + 1, 1 - k)
        if u == 2:
            wait_pos(k)
            if not last_block:
                start_pos(t // 2 + 1, 1 - k)
        wait_pat_in(j)
        compute(j, k)
        start_pat_out(t, j)
        if not last_block or u == 0:
            jf = (u + 3) % 4
            if not (first_block and u == 0):
                wait_pat_out(jf)
            start_pat_in(t + 3, jf)

    start_pos(0, 0)
    for s in range(3):
        start_pat_in(s, s)
    for u in range(4):
        do_step(u, u, first_block=True, last_block=False)

    def block_body(m, carry):
        for u in range(4):
            do_step(4 * m + u, u, first_block=False, last_block=False)
        return carry

    lax.fori_loop(1, _NSTEP // 4 - 1, block_body, 0)

    mlast = _NSTEP // 4 - 1
    for u in range(4):
        do_step(4 * mlast + u, u, first_block=False, last_block=True)

    for j in range(4):
        wait_pat_out(j)


def _sc_add(patches_flat, pos_flat):
    mesh = plsc.VectorSubcoreMesh(core_axis_name="c", subcore_axis_name="s")
    f = functools.partial(
        pl.kernel,
        mesh=mesh,
        out_type=jax.ShapeDtypeStruct((_BATCH * _ROW,), jnp.float32),
        scratch_types=(
            [pltpu.VMEM((_CH,), jnp.float32)] * 6
            + [pltpu.SemaphoreType.DMA] * 10
        ),
    )(_sc_body)
    return f(patches_flat, pos_flat)


def kernel(patches, pos_table):
    batch, n_patches, model_dim = patches.shape
    out_flat = _sc_add(patches.reshape(-1), pos_table.reshape(-1))
    return out_flat.reshape(batch, n_patches, model_dim)

# --- scband reference (transcript-rebuilt; emitter-appended) ---
"""Pipeline reference for scband-positional-embedding-26654567039414 (READ-ONLY COPY).

The authoritative reference and input builder live on the scoring server;
editing this copy changes nothing except your own understanding.
"""

import jax, jax.numpy as jnp
import numpy as np

N_PATCHES = 576
MODEL_DIM = 768
BATCH = 64

def setup_inputs(seed: int = 0) -> dict:
    key = jax.random.key(seed)
    k1, k2 = jax.random.split(key)
    patches = jax.random.normal(k1, (BATCH, N_PATCHES, MODEL_DIM), dtype=jnp.float32)
    # Keras Embedding default init: uniform(-0.05, 0.05)
    pos_table = jax.random.uniform(k2, (N_PATCHES, MODEL_DIM), dtype=jnp.float32, minval=-0.05, maxval=0.05)
    return {"patches": patches, "pos_table": pos_table}

def reference(patches, pos_table):
    positions = jnp.arange(0, N_PATCHES, 1)
    pos_emb = jnp.take(pos_table, positions, axis=0)  # [N_PATCHES, MODEL_DIM]
    return patches + pos_emb  # broadcast over batch

if __name__ == "__main__":
    import jax
    _d = setup_inputs()
    print(jax.jit(kernel)(*tuple(_d.values())))

</pallas_src>

<mosaic_0001>
#map = affine_map<(d0, d1) -> (0)>
module attributes {stable_mosaic.version = 14 : i64} {
  func.func @_sc_body(%arg0: i32, %arg1: i32, %arg2: memref<28311552xf32, #tpu.memory_space<hbm>>, %arg3: memref<442368xf32, #tpu.memory_space<hbm>>, %arg4: memref<28311552xf32, #tpu.memory_space<hbm>>, %arg5: memref<18432xf32, #tpu.memory_space<vmem>>, %arg6: memref<18432xf32, #tpu.memory_space<vmem>>, %arg7: memref<18432xf32, #tpu.memory_space<vmem>>, %arg8: memref<18432xf32, #tpu.memory_space<vmem>>, %arg9: memref<18432xf32, #tpu.memory_space<vmem>>, %arg10: memref<18432xf32, #tpu.memory_space<vmem>>, %arg11: memref<!tpu.dma_semaphore, #tpu.memory_space<semaphore_mem>>, %arg12: memref<!tpu.dma_semaphore, #tpu.memory_space<semaphore_mem>>, %arg13: memref<!tpu.dma_semaphore, #tpu.memory_space<semaphore_mem>>, %arg14: memref<!tpu.dma_semaphore, #tpu.memory_space<semaphore_mem>>, %arg15: memref<!tpu.dma_semaphore, #tpu.memory_space<semaphore_mem>>, %arg16: memref<!tpu.dma_semaphore, #tpu.memory_space<semaphore_mem>>, %arg17: memref<!tpu.dma_semaphore, #tpu.memory_space<semaphore_mem>>, %arg18: memref<!tpu.dma_semaphore, #tpu.memory_space<semaphore_mem>>, %arg19: memref<!tpu.dma_semaphore, #tpu.memory_space<semaphore_mem>>, %arg20: memref<!tpu.dma_semaphore, #tpu.memory_space<semaphore_mem>>) attributes {dimension_semantics = [#tpu.dimension_semantics<core_parallel>, #tpu.dimension_semantics<subcore_parallel>], iteration_bounds = array<i64: 2, 16>, scalar_prefetch = 0 : i64, scratch_operands = 16 : i64, tpu.core_type = #tpu.core_type<sc_vector_subcore>, window_params = [{transform_indices = #map}, {transform_indices = #map}, {transform_indices = #map}]} {
    %mul3A = arith.constant 2 : i32
    %mul3A_0 = arith.muli %arg1, %mul3A : i32
    %add3A = arith.addi %mul3A_0, %arg0 : i32
    %min3A = arith.constant 0 : i32
    %min3A_1 = arith.constant 23 : i32
    %min3A_2 = arith.minsi %min3A, %min3A_1 : i32
    %mul3A_3 = arith.constant 18432 : i32
    %mul3A_4 = arith.muli %min3A_2, %mul3A_3 : i32
    %dma_start3A = tpu.memref_slice %arg3[%mul3A_4] : memref<442368xf32, #tpu.memory_space<hbm>> -> memref<18432xf32, #tpu.memory_space<hbm>>
    %dma_start3A_5 = tpu.memref_slice %arg3[%mul3A_4] : memref<442368xf32, #tpu.memory_space<hbm>> -> memref<18432xf32, #tpu.memory_space<hbm>>
    tpu.enqueue_dma source(%dma_start3A_5 : memref<18432xf32, #tpu.memory_space<hbm>>) target(%arg9 : memref<18432xf32, #tpu.memory_space<vmem>>) target_semaphore(%arg19 : memref<!tpu.dma_semaphore, #tpu.memory_space<semaphore_mem>>)
    %mul3A_6 = arith.constant 2 : i32
    %mul3A_7 = arith.muli %add3A, %mul3A_6 : i32
    %add3A_8 = arith.constant 0 : i32
    %add3A_9 = arith.addi %mul3A_7, %add3A_8 : i32
    %mul3A_10 = arith.constant 442368 : i32
    %mul3A_11 = arith.muli %add3A_9, %mul3A_10 : i32
    %add3A_12 = arith.constant 0 : i32
    %add3A_13 = arith.addi %mul3A_11, %add3A_12 : i32
    %dma_start3A_14 = tpu.memref_slice %arg2[%add3A_13] : memref<28311552xf32, #tpu.memory_space<hbm>> -> memref<18432xf32, #tpu.memory_space<hbm>>
    %dma_start3A_15 = tpu.memref_slice %arg2[%add3A_13] : memref<28311552xf32, #tpu.memory_space<hbm>> -> memref<18432xf32, #tpu.memory_space<hbm>>
    tpu.enqueue_dma source(%dma_start3A_15 : memref<18432xf32, #tpu.memory_space<hbm>>) target(%arg5 : memref<18432xf32, #tpu.memory_space<vmem>>) target_semaphore(%arg11 : memref<!tpu.dma_semaphore, #tpu.memory_space<semaphore_mem>>)
    %mul3A_16 = arith.constant 2 : i32
    %mul3A_17 = arith.muli %add3A, %mul3A_16 : i32
    %add3A_18 = arith.constant 1 : i32
    %add3A_19 = arith.addi %mul3A_17, %add3A_18 : i32
    %mul3A_20 = arith.constant 442368 : i32
    %mul3A_21 = arith.muli %add3A_19, %mul3A_20 : i32
    %add3A_22 = arith.constant 0 : i32
    %add3A_23 = arith.addi %mul3A_21, %add3A_22 : i32
    %dma_start3A_24 = tpu.memref_slice %arg2[%add3A_23] : memref<28311552xf32, #tpu.memory_space<hbm>> -> memref<18432xf32, #tpu.memory_space<hbm>>
    %dma_start3A_25 = tpu.memref_slice %arg2[%add3A_23] : memref<28311552xf32, #tpu.memory_space<hbm>> -> memref<18432xf32, #tpu.memory_space<hbm>>
    tpu.enqueue_dma source(%dma_start3A_25 : memref<18432xf32, #tpu.memory_space<hbm>>) target(%arg6 : memref<18432xf32, #tpu.memory_space<vmem>>) target_semaphore(%arg12 : memref<!tpu.dma_semaphore, #tpu.memory_space<semaphore_mem>>)
    %mul3A_26 = arith.constant 2 : i32
    %mul3A_27 = arith.muli %add3A, %mul3A_26 : i32
    %add3A_28 = arith.constant 0 : i32
    %add3A_29 = arith.addi %mul3A_27, %add3A_28 : i32
    %mul3A_30 = arith.constant 442368 : i32
    %mul3A_31 = arith.muli %add3A_29, %mul3A_30 : i32
    %add3A_32 = arith.constant 18432 : i32
    %add3A_33 = arith.addi %mul3A_31, %add3A_32 : i32
    %dma_start3A_34 = tpu.memref_slice %arg2[%add3A_33] : memref<28311552xf32, #tpu.memory_space<hbm>> -> memref<18432xf32, #tpu.memory_space<hbm>>
    %dma_start3A_35 = tpu.memref_slice %arg2[%add3A_33] : memref<28311552xf32, #tpu.memory_space<hbm>> -> memref<18432xf32, #tpu.memory_space<hbm>>
    tpu.enqueue_dma source(%dma_start3A_35 : memref<18432xf32, #tpu.memory_space<hbm>>) target(%arg7 : memref<18432xf32, #tpu.memory_space<vmem>>) target_semaphore(%arg13 : memref<!tpu.dma_semaphore, #tpu.memory_space<semaphore_mem>>)
    %dma_wait3A = arith.constant 0 : i32
    %dma_wait3A_36 = tpu.memref_slice %arg3[%dma_wait3A] : memref<442368xf32, #tpu.memory_space<hbm>> -> memref<18432xf32, #tpu.memory_space<hbm>>
    %dma_wait3A_37 = arith.constant 0 : i32
    %dma_wait3A_38 = tpu.memref_slice %arg3[%dma_wait3A_37] : memref<442368xf32, #tpu.memory_space<hbm>> -> memref<18432xf32, #tpu.memory_space<hbm>>
    tpu.wait_dma2 semaphore(%arg19 : memref<!tpu.dma_semaphore, #tpu.memory_space<semaphore_mem>>) src(%dma_wait3A_38 : memref<18432xf32, #tpu.memory_space<hbm>>) dst(%arg9 : memref<18432xf32, #tpu.memory_space<vmem>>)
    %min3A_39 = arith.constant 1 : i32
    %min3A_40 = arith.constant 23 : i32
    %min3A_41 = arith.minsi %min3A_39, %min3A_40 : i32
    %mul3A_42 = arith.constant 18432 : i32
    %mul3A_43 = arith.muli %min3A_41, %mul3A_42 : i32
    %dma_start3A_44 = tpu.memref_slice %arg3[%mul3A_43] : memref<442368xf32, #tpu.memory_space<hbm>> -> memref<18432xf32, #tpu.memory_space<hbm>>
    %dma_start3A_45 = tpu.memref_slice %arg3[%mul3A_43] : memref<442368xf32, #tpu.memory_space<hbm>> -> memref<18432xf32, #tpu.memory_space<hbm>>
    tpu.enqueue_dma source(%dma_start3A_45 : memref<18432xf32, #tpu.memory_space<hbm>>) target(%arg10 : memref<18432xf32, #tpu.memory_space<vmem>>) target_semaphore(%arg20 : memref<!tpu.dma_semaphore, #tpu.memory_space<semaphore_mem>>)
    %dma_wait3A_46 = arith.constant 0 : i32
    %dma_wait3A_47 = tpu.memref_slice %arg2[%dma_wait3A_46] : memref<28311552xf32, #tpu.memory_space<hbm>> -> memref<18432xf32, #tpu.memory_space<hbm>>
    %dma_wait3A_48 = arith.constant 0 : i32
    %dma_wait3A_49 = tpu.memref_slice %arg2[%dma_wait3A_48] : memref<28311552xf32, #tpu.memory_space<hbm>> -> memref<18432xf32, #tpu.memory_space<hbm>>
    tpu.wait_dma2 semaphore(%arg11 : memref<!tpu.dma_semaphore, #tpu.memory_space<semaphore_mem>>) src(%dma_wait3A_49 : memref<18432xf32, #tpu.memory_space<hbm>>) dst(%arg5 : memref<18432xf32, #tpu.memory_space<vmem>>)
    %scan3A = arith.constant 0 : i32
    %scan3A_50 = arith.constant 0 : i32
    %scan3A_51 = arith.constant 144 : i32
    %scan3A_52 = arith.addi %scan3A_50, %scan3A_51 : i32
    %scan3A_53 = arith.constant 1 : i32
    scf.for %scan3A_319 = %scan3A_50 to %scan3A_52 step %scan3A_53  : i32 {
      %mul3A_320 = arith.constant 128 : i32
      %mul3A_321 = arith.muli %scan3A_319, %mul3A_320 : i32
      %add3A_322 = arith.constant 0 : i32
      %add3A_323 = arith.addi %mul3A_321, %add3A_322 : i32
      %get3A = arith.index_cast %add3A_323 : i32 to index
      %get3A_324 = tpu.vector_load %arg9[%get3A] {strides = array<i32>} : memref<18432xf32, #tpu.memory_space<vmem>>, vector<16xf32>,
      %get3A_325 = vector.shape_cast %get3A_324 : vector<16xf32> to vector<16xf32>
      %swap3A = arith.index_cast %add3A_323 : i32 to index
      %swap3A_326 = tpu.vector_load %arg5[%swap3A] {strides = array<i32>} : memref<18432xf32, #tpu.memory_space<vmem>>, vector<16xf32>,
      %swap3A_327 = vector.shape_cast %swap3A_326 : vector<16xf32> to vector<16xf32>
      %swap3A_328 = vector.shape_cast %get3A_325 : vector<16xf32> to vector<16xf32>
      tpu.vector_store %arg5[%swap3A], %swap3A_328 {add = true, strides = array<i32>} : memref<18432xf32, #tpu.memory_space<vmem>>, vector<16xf32>,
      %add3A_329 = arith.constant 16 : i32
      %add3A_330 = arith.addi %mul3A_321, %add3A_329 : i32
      %get3A_331 = arith.index_cast %add3A_330 : i32 to index
      %get3A_332 = tpu.vector_load %arg9[%get3A_331] {strides = array<i32>} : memref<18432xf32, #tpu.memory_space<vmem>>, vector<16xf32>,
      %get3A_333 = vector.shape_cast %get3A_332 : vector<16xf32> to vector<16xf32>
      %swap3A_334 = arith.index_cast %add3A_330 : i32 to index
      %swap3A_335 = tpu.vector_load %arg5[%swap3A_334] {strides = array<i32>} : memref<18432xf32, #tpu.memory_space<vmem>>, vector<16xf32>,
      %swap3A_336 = vector.shape_cast %swap3A_335 : vector<16xf32> to vector<16xf32>
      %swap3A_337 = vector.shape_cast %get3A_333 : vector<16xf32> to vector<16xf32>
      tpu.vector_store %arg5[%swap3A_334], %swap3A_337 {add = true, strides = array<i32>} : memref<18432xf32, #tpu.memory_space<vmem>>, vector<16xf32>,
      %add3A_338 = arith.constant 32 : i32
      %add3A_339 = arith.addi %mul3A_321, %add3A_338 : i32
      %get3A_340 = arith.index_cast %add3A_339 : i32 to index
      %get3A_341 = tpu.vector_load %arg9[%get3A_340] {strides = array<i32>} : memref<18432xf32, #tpu.memory_space<vmem>>, vector<16xf32>,
      %get3A_342 = vector.shape_cast %get3A_341 : vector<16xf32> to vector<16xf32>
      %swap3A_343 = arith.index_cast %add3A_339 : i32 to index
      %swap3A_344 = tpu.vector_load %arg5[%swap3A_343] {strides = array<i32>} : memref<18432xf32, #tpu.memory_space<vmem>>, vector<16xf32>,
      %swap3A_345 = vector.shape_cast %swap3A_344 : vector<16xf32> to vector<16xf32>
      %swap3A_346 = vector.shape_cast %get3A_342 : vector<16xf32> to vector<16xf32>
      tpu.vector_store %arg5[%swap3A_343], %swap3A_346 {add = true, strides = array<i32>} : memref<18432xf32, #tpu.memory_space<vmem>>, vector<16xf32>,
      %add3A_347 = arith.constant 48 : i32
      %add3A_348 = arith.addi %mul3A_321, %add3A_347 : i32
      %get3A_349 = arith.index_cast %add3A_348 : i32 to index
      %get3A_350 = tpu.vector_load %arg9[%get3A_349] {strides = array<i32>} : memref<18432xf32, #tpu.memory_space<vmem>>, vector<16xf32>,
      %get3A_351 = vector.shape_cast %get3A_350 : vector<16xf32> to vector<16xf32>
      %swap3A_352 = arith.index_cast %add3A_348 : i32 to index
      %swap3A_353 = tpu.vector_load %arg5[%swap3A_352] {strides = array<i32>} : memref<18432xf32, #tpu.memory_space<vmem>>, vector<16xf32>,
      %swap3A_354 = vector.shape_cast %swap3A_353 : vector<16xf32> to vector<16xf32>
      %swap3A_355 = vector.shape_cast %get3A_351 : vector<16xf32> to vector<16xf32>
      tpu.vector_store %arg5[%swap3A_352], %swap3A_355 {add = true, strides = array<i32>} : memref<18432xf32, #tpu.memory_space<vmem>>, vector<16xf32>,
      %add3A_356 = arith.constant 64 : i32
      %add3A_357 = arith.addi %mul3A_321, %add3A_356 : i32
      %get3A_358 = arith.index_cast %add3A_357 : i32 to index
      %get3A_359 = tpu.vector_load %arg9[%get3A_358] {strides = array<i32>} : memref<18432xf32, #tpu.memory_space<vmem>>, vector<16xf32>,
      %get3A_360 = vector.shape_cast %get3A_359 : vector<16xf32> to vector<16xf32>
      %swap3A_361 = arith.index_cast %add3A_357 : i32 to index
      %swap3A_362 = tpu.vector_load %arg5[%swap3A_361] {strides = array<i32>} : memref<18432xf32, #tpu.memory_space<vmem>>, vector<16xf32>,
      %swap3A_363 = vector.shape_cast %swap3A_362 : vector<16xf32> to vector<16xf32>
      %swap3A_364 = vector.shape_cast %get3A_360 : vector<16xf32> to vector<16xf32>
      tpu.vector_store %arg5[%swap3A_361], %swap3A_364 {add = true, strides = array<i32>} : memref<18432xf32, #tpu.memory_space<vmem>>, vector<16xf32>,
      %add3A_365 = arith.constant 80 : i32
      %add3A_366 = arith.addi %mul3A_321, %add3A_365 : i32
      %get3A_367 = arith.index_cast %add3A_366 : i32 to index
      %get3A_368 = tpu.vector_load %arg9[%get3A_367] {strides = array<i32>} : memref<18432xf32, #tpu.memory_space<vmem>>, vector<16xf32>,
      %get3A_369 = vector.shape_cast %get3A_368 : vector<16xf32> to vector<16xf32>
      %swap3A_370 = arith.index_cast %add3A_366 : i32 to index
      %swap3A_371 = tpu.vector_load %arg5[%swap3A_370] {strides = array<i32>} : memref<18432xf32, #tpu.memory_space<vmem>>, vector<16xf32>,
      %swap3A_372 = vector.shape_cast %swap3A_371 : vector<16xf32> to vector<16xf32>
      %swap3A_373 = vector.shape_cast %get3A_369 : vector<16xf32> to vector<16xf32>
      tpu.vector_store %arg5[%swap3A_370], %swap3A_373 {add = true, strides = array<i32>} : memref<18432xf32, #tpu.memory_space<vmem>>, vector<16xf32>,
      %add3A_374 = arith.constant 96 : i32
      %add3A_375 = arith.addi %mul3A_321, %add3A_374 : i32
      %get3A_376 = arith.index_cast %add3A_375 : i32 to index
      %get3A_377 = tpu.vector_load %arg9[%get3A_376] {strides = array<i32>} : memref<18432xf32, #tpu.memory_space<vmem>>, vector<16xf32>,
      %get3A_378 = vector.shape_cast %get3A_377 : vector<16xf32> to vector<16xf32>
      %swap3A_379 = arith.index_cast %add3A_375 : i32 to index
      %swap3A_380 = tpu.vector_load %arg5[%swap3A_379] {strides = array<i32>} : memref<18432xf32, #tpu.memory_space<vmem>>, vector<16xf32>,
      %swap3A_381 = vector.shape_cast %swap3A_380 : vector<16xf32> to vector<16xf32>
      %swap3A_382 = vector.shape_cast %get3A_378 : vector<16xf32> to vector<16xf32>
      tpu.vector_store %arg5[%swap3A_379], %swap3A_382 {add = true, strides = array<i32>} : memref<18432xf32, #tpu.memory_space<vmem>>, vector<16xf32>,
      %add3A_383 = arith.constant 112 : i32
      %add3A_384 = arith.addi %mul3A_321, %add3A_383 : i32
      %get3A_385 = arith.index_cast %add3A_384 : i32 to index
      %get3A_386 = tpu.vector_load %arg9[%get3A_385] {strides = array<i32>} : memref<18432xf32, #tpu.memory_space<vmem>>, vector<16xf32>,
      %get3A_387 = vector.shape_cast %get3A_386 : vector<16xf32> to vector<16xf32>
      %swap3A_388 = arith.index_cast %add3A_384 : i32 to index
      %swap3A_389 = tpu.vector_load %arg5[%swap3A_388] {strides = array<i32>} : memref<18432xf32, #tpu.memory_space<vmem>>, vector<16xf32>,
      %swap3A_390 = vector.shape_cast %swap3A_389 : vector<16xf32> to vector<16xf32>
      %swap3A_391 = vector.shape_cast %get3A_387 : vector<16xf32> to vector<16xf32>
      tpu.vector_store %arg5[%swap3A_388], %swap3A_391 {add = true, strides = array<i32>} : memref<18432xf32, #tpu.memory_space<vmem>>, vector<16xf32>,
    }
    %scan3A_54 = arith.constant 144 : i32
    %mul3A_55 = arith.constant 2 : i32
    %mul3A_56 = arith.muli %add3A, %mul3A_55 : i32
    %add3A_57 = arith.constant 0 : i32
    %add3A_58 = arith.addi %mul3A_56, %add3A_57 : i32
    %mul3A_59 = arith.constant 442368 : i32
    %mul3A_60 = arith.muli %add3A_58, %mul3A_59 : i32
    %add3A_61 = arith.constant 0 : i32
    %add3A_62 = arith.addi %mul3A_60, %add3A_61 : i32
    %dma_start3A_63 = tpu.memref_slice %arg4[%add3A_62] : memref<28311552xf32, #tpu.memory_space<hbm>> -> memref<18432xf32, #tpu.memory_space<hbm>>
    %dma_start3A_64 = tpu.memref_slice %arg4[%add3A_62] : memref<28311552xf32, #tpu.memory_space<hbm>> -> memref<18432xf32, #tpu.memory_space<hbm>>
    tpu.enqueue_dma source(%arg5 : memref<18432xf32, #tpu.memory_space<vmem>>) target(%dma_start3A_64 : memref<18432xf32, #tpu.memory_space<hbm>>) target_semaphore(%arg15 : memref<!tpu.dma_semaphore, #tpu.memory_space<semaphore_mem>>)
    %mul3A_65 = arith.constant 2 : i32
    %mul3A_66 = arith.muli %add3A, %mul3A_65 : i32
    %add3A_67 = arith.constant 1 : i32
    %add3A_68 = arith.addi %mul3A_66, %add3A_67 : i32
    %mul3A_69 = arith.constant 442368 : i32
    %mul3A_70 = arith.muli %add3A_68, %mul3A_69 : i32
    %add3A_71 = arith.constant 18432 : i32
    %add3A_72 = arith.addi %mul3A_70, %add3A_71 : i32
    %dma_start3A_73 = tpu.memref_slice %arg2[%add3A_72] : memref<28311552xf32, #tpu.memory_space<hbm>> -> memref<18432xf32, #tpu.memory_space<hbm>>
    %dma_start3A_74 = tpu.memref_slice %arg2[%add3A_72] : memref<28311552xf32, #tpu.memory_space<hbm>> -> memref<18432xf32, #tpu.memory_space<hbm>>
    tpu.enqueue_dma source(%dma_start3A_74 : memref<18432xf32, #tpu.memory_space<hbm>>) target(%arg8 : memref<18432xf32, #tpu.memory_space<vmem>>) target_semaphore(%arg14 : memref<!tpu.dma_semaphore, #tpu.memory_space<semaphore_mem>>)
    %dma_wait3A_75 = arith.constant 0 : i32
    %dma_wait3A_76 = tpu.memref_slice %arg2[%dma_wait3A_75] : memref<28311552xf32, #tpu.memory_space<hbm>> -> memref<18432xf32, #tpu.memory_space<hbm>>
    %dma_wait3A_77 = arith.constant 0 : i32
    %dma_wait3A_78 = tpu.memref_slice %arg2[%dma_wait3A_77] : memref<28311552xf32, #tpu.memory_space<hbm>> -> memref<18432xf32, #tpu.memory_space<hbm>>
    tpu.wait_dma2 semaphore(%arg12 : memref<!tpu.dma_semaphore, #tpu.memory_space<semaphore_mem>>) src(%dma_wait3A_78 : memref<18432xf32, #tpu.memory_space<hbm>>) dst(%arg6 : memref<18432xf32, #tpu.memory_space<vmem>>)
    %scan3A_79 = arith.constant 0 : i32
    %scan3A_80 = arith.constant 0 : i32
    %scan3A_81 = arith.constant 144 : i32
    %scan3A_82 = arith.addi %scan3A_80, %scan3A_81 : i32
    %scan3A_83 = arith.constant 1 : i32
    scf.for %scan3A_319 = %scan3A_80 to %scan3A_82 step %scan3A_83  : i32 {
      %mul3A_320 = arith.constant 128 : i32
      %mul3A_321 = arith.muli %scan3A_319, %mul3A_320 : i32
      %add3A_322 = arith.constant 0 : i32
      %add3A_323 = arith.addi %mul3A_321, %add3A_322 : i32
      %get3A = arith.index_cast %add3A_323 : i32 to index
      %get3A_324 = tpu.vector_load %arg9[%get3A] {strides = array<i32>} : memref<18432xf32, #tpu.memory_space<vmem>>, vector<16xf32>,
      %get3A_325 = vector.shape_cast %get3A_324 : vector<16xf32> to vector<16xf32>
      %swap3A = arith.index_cast %add3A_323 : i32 to index
      %swap3A_326 = tpu.vector_load %arg6[%swap3A] {strides = array<i32>} : memref<18432xf32, #tpu.memory_space<vmem>>, vector<16xf32>,
      %swap3A_327 = vector.shape_cast %swap3A_326 : vector<16xf32> to vector<16xf32>
      %swap3A_328 = vector.shape_cast %get3A_325 : vector<16xf32> to vector<16xf32>
      tpu.vector_store %arg6[%swap3A], %swap3A_328 {add = true, strides = array<i32>} : memref<18432xf32, #tpu.memory_space<vmem>>, vector<16xf32>,
      %add3A_329 = arith.constant 16 : i32
      %add3A_330 = arith.addi %mul3A_321, %add3A_329 : i32
      %get3A_331 = arith.index_cast %add3A_330 : i32 to index
      %get3A_332 = tpu.vector_load %arg9[%get3A_331] {strides = array<i32>} : memref<18432xf32, #tpu.memory_space<vmem>>, vector<16xf32>,
      %get3A_333 = vector.shape_cast %get3A_332 : vector<16xf32> to vector<16xf32>
      %swap3A_334 = arith.index_cast %add3A_330 : i32 to index
      %swap3A_335 = tpu.vector_load %arg6[%swap3A_334] {strides = array<i32>} : memref<18432xf32, #tpu.memory_space<vmem>>, vector<16xf32>,
      %swap3A_336 = vector.shape_cast %swap3A_335 : vector<16xf32> to vector<16xf32>
      %swap3A_337 = vector.shape_cast %get3A_333 : vector<16xf32> to vector<16xf32>
      tpu.vector_store %arg6[%swap3A_334], %swap3A_337 {add = true, strides = array<i32>} : memref<18432xf32, #tpu.memory_space<vmem>>, vector<16xf32>,
      %add3A_338 = arith.constant 32 : i32
      %add3A_339 = arith.addi %mul3A_321, %add3A_338 : i32
      %get3A_340 = arith.index_cast %add3A_339 : i32 to index
      %get3A_341 = tpu.vector_load %arg9[%get3A_340] {strides = array<i32>} : memref<18432xf32, #tpu.memory_space<vmem>>, vector<16xf32>,
      %get3A_342 = vector.shape_cast %get3A_341 : vector<16xf32> to vector<16xf32>
      %swap3A_343 = arith.index_cast %add3A_339 : i32 to index
      %swap3A_344 = tpu.vector_load %arg6[%swap3A_343] {strides = array<i32>} : memref<18432xf32, #tpu.memory_space<vmem>>, vector<16xf32>,
      %swap3A_345 = vector.shape_cast %swap3A_344 : vector<16xf32> to vector<16xf32>
      %swap3A_346 = vector.shape_cast %get3A_342 : vector<16xf32> to vector<16xf32>
      tpu.vector_store %arg6[%swap3A_343], %swap3A_346 {add = true, strides = array<i32>} : memref<18432xf32, #tpu.memory_space<vmem>>, vector<16xf32>,
      %add3A_347 = arith.constant 48 : i32
      %add3A_348 = arith.addi %mul3A_321, %add3A_347 : i32
      %get3A_349 = arith.index_cast %add3A_348 : i32 to index
      %get3A_350 = tpu.vector_load %arg9[%get3A_349] {strides = array<i32>} : memref<18432xf32, #tpu.memory_space<vmem>>, vector<16xf32>,
      %get3A_351 = vector.shape_cast %get3A_350 : vector<16xf32> to vector<16xf32>
      %swap3A_352 = arith.index_cast %add3A_348 : i32 to index
      %swap3A_353 = tpu.vector_load %arg6[%swap3A_352] {strides = array<i32>} : memref<18432xf32, #tpu.memory_space<vmem>>, vector<16xf32>,
      %swap3A_354 = vector.shape_cast %swap3A_353 : vector<16xf32> to vector<16xf32>
      %swap3A_355 = vector.shape_cast %get3A_351 : vector<16xf32> to vector<16xf32>
      tpu.vector_store %arg6[%swap3A_352], %swap3A_355 {add = true, strides = array<i32>} : memref<18432xf32, #tpu.memory_space<vmem>>, vector<16xf32>,
      %add3A_356 = arith.constant 64 : i32
      %add3A_357 = arith.addi %mul3A_321, %add3A_356 : i32
      %get3A_358 = arith.index_cast %add3A_357 : i32 to index
      %get3A_359 = tpu.vector_load %arg9[%get3A_358] {strides = array<i32>} : memref<18432xf32, #tpu.memory_space<vmem>>, vector<16xf32>,
      %get3A_360 = vector.shape_cast %get3A_359 : vector<16xf32> to vector<16xf32>
      %swap3A_361 = arith.index_cast %add3A_357 : i32 to index
      %swap3A_362 = tpu.vector_load %arg6[%swap3A_361] {strides = array<i32>} : memref<18432xf32, #tpu.memory_space<vmem>>, vector<16xf32>,
      %swap3A_363 = vector.shape_cast %swap3A_362 : vector<16xf32> to vector<16xf32>
      %swap3A_364 = vector.shape_cast %get3A_360 : vector<16xf32> to vector<16xf32>
      tpu.vector_store %arg6[%swap3A_361], %swap3A_364 {add = true, strides = array<i32>} : memref<18432xf32, #tpu.memory_space<vmem>>, vector<16xf32>,
      %add3A_365 = arith.constant 80 : i32
      %add3A_366 = arith.addi %mul3A_321, %add3A_365 : i32
      %get3A_367 = arith.index_cast %add3A_366 : i32 to index
      %get3A_368 = tpu.vector_load %arg9[%get3A_367] {strides = array<i32>} : memref<18432xf32, #tpu.memory_space<vmem>>, vector<16xf32>,
      %get3A_369 = vector.shape_cast %get3A_368 : vector<16xf32> to vector<16xf32>
      %swap3A_370 = arith.index_cast %add3A_366 : i32 to index
      %swap3A_371 = tpu.vector_load %arg6[%swap3A_370] {strides = array<i32>} : memref<18432xf32, #tpu.memory_space<vmem>>, vector<16xf32>,
      %swap3A_372 = vector.shape_cast %swap3A_371 : vector<16xf32> to vector<16xf32>
      %swap3A_373 = vector.shape_cast %get3A_369 : vector<16xf32> to vector<16xf32>
      tpu.vector_store %arg6[%swap3A_370], %swap3A_373 {add = true, strides = array<i32>} : memref<18432xf32, #tpu.memory_space<vmem>>, vector<16xf32>,
      %add3A_374 = arith.constant 96 : i32
      %add3A_375 = arith.addi %mul3A_321, %add3A_374 : i32
      %get3A_376 = arith.index_cast %add3A_375 : i32 to index
      %get3A_377 = tpu.vector_load %arg9[%get3A_376] {strides = array<i32>} : memref<18432xf32, #tpu.memory_space<vmem>>, vector<16xf32>,
      %get3A_378 = vector.shape_cast %get3A_377 : vector<16xf32> to vector<16xf32>
      %swap3A_379 = arith.index_cast %add3A_375 : i32 to index
      %swap3A_380 = tpu.vector_load %arg6[%swap3A_379] {strides = array<i32>} : memref<18432xf32, #tpu.memory_space<vmem>>, vector<16xf32>,
      %swap3A_381 = vector.shape_cast %swap3A_380 : vector<16xf32> to vector<16xf32>
      %swap3A_382 = vector.shape_cast %get3A_378 : vector<16xf32> to vector<16xf32>
      tpu.vector_store %arg6[%swap3A_379], %swap3A_382 {add = true, strides = array<i32>} : memref<18432xf32, #tpu.memory_space<vmem>>, vector<16xf32>,
      %add3A_383 = arith.constant 112 : i32
      %add3A_384 = arith.addi %mul3A_321, %add3A_383 : i32
      %get3A_385 = arith.index_cast %add3A_384 : i32 to index
      %get3A_386 = tpu.vector_load %arg9[%get3A_385] {strides = array<i32>} : memref<18432xf32, #tpu.memory_space<vmem>>, vector<16xf32>,
      %get3A_387 = vector.shape_cast %get3A_386 : vector<16xf32> to vector<16xf32>
      %swap3A_388 = arith.index_cast %add3A_384 : i32 to index
      %swap3A_389 = tpu.vector_load %arg6[%swap3A_388] {strides = array<i32>} : memref<18432xf32, #tpu.memory_space<vmem>>, vector<16xf32>,
      %swap3A_390 = vector.shape_cast %swap3A_389 : vector<16xf32> to vector<16xf32>
      %swap3A_391 = vector.shape_cast %get3A_387 : vector<16xf32> to vector<16xf32>
      tpu.vector_store %arg6[%swap3A_388], %swap3A_391 {add = true, strides = array<i32>} : memref<18432xf32, #tpu.memory_space<vmem>>, vector<16xf32>,
    }
    %scan3A_84 = arith.constant 144 : i32
    %mul3A_85 = arith.constant 2 : i32
    %mul3A_86 = arith.muli %add3A, %mul3A_85 : i32
    %add3A_87 = arith.constant 1 : i32
    %add3A_88 = arith.addi %mul3A_86, %add3A_87 : i32
    %mul3A_89 = arith.constant 442368 : i32
    %mul3A_90 = arith.muli %add3A_88, %mul3A_89 : i32
    %add3A_91 = arith.constant 0 : i32
    %add3A_92 = arith.addi %mul3A_90, %add3A_91 : i32
    %dma_start3A_93 = tpu.memref_slice %arg4[%add3A_92] : memref<28311552xf32, #tpu.memory_space<hbm>> -> memref<18432xf32, #tpu.memory_space<hbm>>
    %dma_start3A_94 = tpu.memref_slice %arg4[%add3A_92] : memref<28311552xf32, #tpu.memory_space<hbm>> -> memref<18432xf32, #tpu.memory_space<hbm>>
    tpu.enqueue_dma source(%arg6 : memref<18432xf32, #tpu.memory_space<vmem>>) target(%dma_start3A_94 : memref<18432xf32, #tpu.memory_space<hbm>>) target_semaphore(%arg16 : memref<!tpu.dma_semaphore, #tpu.memory_space<semaphore_mem>>)
    %dma_wait3A_95 = arith.constant 0 : i32
    %dma_wait3A_96 = tpu.memref_slice %arg4[%dma_wait3A_95] : memref<28311552xf32, #tpu.memory_space<hbm>> -> memref<18432xf32, #tpu.memory_space<hbm>>
    %dma_wait3A_97 = arith.constant 0 : i32
    %dma_wait3A_98 = tpu.memref_slice %arg4[%dma_wait3A_97] : memref<28311552xf32, #tpu.memory_space<hbm>> -> memref<18432xf32, #tpu.memory_space<hbm>>
    tpu.wait_dma2 semaphore(%arg15 : memref<!tpu.dma_semaphore, #tpu.memory_space<semaphore_mem>>) src(%arg5 : memref<18432xf32, #tpu.memory_space<vmem>>) dst(%dma_wait3A_98 : memref<18432xf32, #tpu.memory_space<hbm>>)
    %mul3A_99 = arith.constant 2 : i32
    %mul3A_100 = arith.muli %add3A, %mul3A_99 : i32
    %add3A_101 = arith.constant 0 : i32
    %add3A_102 = arith.addi %mul3A_100, %add3A_101 : i32
    %mul3A_103 = arith.constant 442368 : i32
    %mul3A_104 = arith.muli %add3A_102, %mul3A_103 : i32
    %add3A_105 = arith.constant 36864 : i32
    %add3A_106 = arith.addi %mul3A_104, %add3A_105 : i32
    %dma_start3A_107 = tpu.memref_slice %arg2[%add3A_106] : memref<28311552xf32, #tpu.memory_space<hbm>> -> memref<18432xf32, #tpu.memory_space<hbm>>
    %dma_start3A_108 = tpu.memref_slice %arg2[%add3A_106] : memref<28311552xf32, #tpu.memory_space<hbm>> -> memref<18432xf32, #tpu.memory_space<hbm>>
    tpu.enqueue_dma source(%dma_start3A_108 : memref<18432xf32, #tpu.memory_space<hbm>>) target(%arg5 : memref<18432xf32, #tpu.memory_space<vmem>>) target_semaphore(%arg11 : memref<!tpu.dma_semaphore, #tpu.memory_space<semaphore_mem>>)
    %dma_wait3A_109 = arith.constant 0 : i32
    %dma_wait3A_110 = tpu.memref_slice %arg3[%dma_wait3A_109] : memref<442368xf32, #tpu.memory_space<hbm>> -> memref<18432xf32, #tpu.memory_space<hbm>>
    %dma_wait3A_111 = arith.constant 0 : i32
    %dma_wait3A_112 = tpu.memref_slice %arg3[%dma_wait3A_111] : memref<442368xf32, #tpu.memory_space<hbm>> -> memref<18432xf32, #tpu.memory_space<hbm>>
    tpu.wait_dma2 semaphore(%arg20 : memref<!tpu.dma_semaphore, #tpu.memory_space<semaphore_mem>>) src(%dma_wait3A_112 : memref<18432xf32, #tpu.memory_space<hbm>>) dst(%arg10 : memref<18432xf32, #tpu.memory_space<vmem>>)
    %min3A_113 = arith.constant 2 : i32
    %min3A_114 = arith.constant 23 : i32
    %min3A_115 = arith.minsi %min3A_113, %min3A_114 : i32
    %mul3A_116 = arith.constant 18432 : i32
    %mul3A_117 = arith.muli %min3A_115, %mul3A_116 : i32
    %dma_start3A_118 = tpu.memref_slice %arg3[%mul3A_117] : memref<442368xf32, #tpu.memory_space<hbm>> -> memref<18432xf32, #tpu.memory_space<hbm>>
    %dma_start3A_119 = tpu.memref_slice %arg3[%mul3A_117] : memref<442368xf32, #tpu.memory_space<hbm>> -> memref<18432xf32, #tpu.memory_space<hbm>>
    tpu.enqueue_dma source(%dma_start3A_119 : memref<18432xf32, #tpu.memory_space<hbm>>) target(%arg9 : memref<18432xf32, #tpu.memory_space<vmem>>) target_semaphore(%arg19 : memref<!tpu.dma_semaphore, #tpu.memory_space<semaphore_mem>>)
    %dma_wait3A_120 = arith.constant 0 : i32
    %dma_wait3A_121 = tpu.memref_slice %arg2[%dma_wait3A_120] : memref<28311552xf32, #tpu.memory_space<hbm>> -> memref<18432xf32, #tpu.memory_space<hbm>>
    %dma_wait3A_122 = arith.constant 0 : i32
    %dma_wait3A_123 = tpu.memref_slice %arg2[%dma_wait3A_122] : memref<28311552xf32, #tpu.memory_space<hbm>> -> memref<18432xf32, #tpu.memory_space<hbm>>
    tpu.wait_dma2 semaphore(%arg13 : memref<!tpu.dma_semaphore, #tpu.memory_space<semaphore_mem>>) src(%dma_wait3A_123 : memref<18432xf32, #tpu.memory_space<hbm>>) dst(%arg7 : memref<18432xf32, #tpu.memory_space<vmem>>)
    %scan3A_124 = arith.constant 0 : i32
    %scan3A_125 = arith.constant 0 : i32
    %scan3A_126 = arith.constant 144 : i32
    %scan3A_127 = arith.addi %scan3A_125, %scan3A_126 : i32
    %scan3A_128 = arith.constant 1 : i32
    scf.for %scan3A_319 = %scan3A_125 to %scan3A_127 step %scan3A_128  : i32 {
      %mul3A_320 = arith.constant 128 : i32
      %mul3A_321 = arith.muli %scan3A_319, %mul3A_320 : i32
      %add3A_322 = arith.constant 0 : i32
      %add3A_323 = arith.addi %mul3A_321, %add3A_322 : i32
      %get3A = arith.index_cast %add3A_323 : i32 to index
      %get3A_324 = tpu.vector_load %arg10[%get3A] {strides = array<i32>} : memref<18432xf32, #tpu.memory_space<vmem>>, vector<16xf32>,
      %get3A_325 = vector.shape_cast %get3A_324 : vector<16xf32> to vector<16xf32>
      %swap3A = arith.index_cast %add3A_323 : i32 to index
      %swap3A_326 = tpu.vector_load %arg7[%swap3A] {strides = array<i32>} : memref<18432xf32, #tpu.memory_space<vmem>>, vector<16xf32>,
      %swap3A_327 = vector.shape_cast %swap3A_326 : vector<16xf32> to vector<16xf32>
      %swap3A_328 = vector.shape_cast %get3A_325 : vector<16xf32> to vector<16xf32>
      tpu.vector_store %arg7[%swap3A], %swap3A_328 {add = true, strides = array<i32>} : memref<18432xf32, #tpu.memory_space<vmem>>, vector<16xf32>,
      %add3A_329 = arith.constant 16 : i32
      %add3A_330 = arith.addi %mul3A_321, %add3A_329 : i32
      %get3A_331 = arith.index_cast %add3A_330 : i32 to index
      %get3A_332 = tpu.vector_load %arg10[%get3A_331] {strides = array<i32>} : memref<18432xf32, #tpu.memory_space<vmem>>, vector<16xf32>,
      %get3A_333 = vector.shape_cast %get3A_332 : vector<16xf32> to vector<16xf32>
      %swap3A_334 = arith.index_cast %add3A_330 : i32 to index
      %swap3A_335 = tpu.vector_load %arg7[%swap3A_334] {strides = array<i32>} : memref<18432xf32, #tpu.memory_space<vmem>>, vector<16xf32>,
      %swap3A_336 = vector.shape_cast %swap3A_335 : vector<16xf32> to vector<16xf32>
      %swap3A_337 = vector.shape_cast %get3A_333 : vector<16xf32> to vector<16xf32>
      tpu.vector_store %arg7[%swap3A_334], %swap3A_337 {add = true, strides = array<i32>} : memref<18432xf32, #tpu.memory_space<vmem>>, vector<16xf32>,
      %add3A_338 = arith.constant 32 : i32
      %add3A_339 = arith.addi %mul3A_321, %add3A_338 : i32
      %get3A_340 = arith.index_cast %add3A_339 : i32 to index
      %get3A_341 = tpu.vector_load %arg10[%get3A_340] {strides = array<i32>} : memref<18432xf32, #tpu.memory_space<vmem>>, vector<16xf32>,
      %get3A_342 = vector.shape_cast %get3A_341 : vector<16xf32> to vector<16xf32>
      %swap3A_343 = arith.index_cast %add3A_339 : i32 to index
      %swap3A_344 = tpu.vector_load %arg7[%swap3A_343] {strides = array<i32>} : memref<18432xf32, #tpu.memory_space<vmem>>, vector<16xf32>,
      %swap3A_345 = vector.shape_cast %swap3A_344 : vector<16xf32> to vector<16xf32>
      %swap3A_346 = vector.shape_cast %get3A_342 : vector<16xf32> to vector<16xf32>
      tpu.vector_store %arg7[%swap3A_343], %swap3A_346 {add = true, strides = array<i32>} : memref<18432xf32, #tpu.memory_space<vmem>>, vector<16xf32>,
      %add3A_347 = arith.constant 48 : i32
      %add3A_348 = arith.addi %mul3A_321, %add3A_347 : i32
      %get3A_349 = arith.index_cast %add3A_348 : i32 to index
      %get3A_350 = tpu.vector_load %arg10[%get3A_349] {strides = array<i32>} : memref<18432xf32, #tpu.memory_space<vmem>>, vector<16xf32>,
      %get3A_351 = vector.shape_cast %get3A_350 : vector<16xf32> to vector<16xf32>
      %swap3A_352 = arith.index_cast %add3A_348 : i32 to index
      %swap3A_353 = tpu.vector_load %arg7[%swap3A_352] {strides = array<i32>} : memref<18432xf32, #tpu.memory_space<vmem>>, vector<16xf32>,
      %swap3A_354 = vector.shape_cast %swap3A_353 : vector<16xf32> to vector<16xf32>
      %swap3A_355 = vector.shape_cast %get3A_351 : vector<16xf32> to vector<16xf32>
      tpu.vector_store %arg7[%swap3A_352], %swap3A_355 {add = true, strides = array<i32>} : memref<18432xf32, #tpu.memory_space<vmem>>, vector<16xf32>,
      %add3A_356 = arith.constant 64 : i32
      %add3A_357 = arith.addi %mul3A_321, %add3A_356 : i32
      %get3A_358 = arith.index_cast %add3A_357 : i32 to index
      %get3A_359 = tpu.vector_load %arg10[%get3A_358] {strides = array<i32>} : memref<18432xf32, #tpu.memory_space<vmem>>, vector<16xf32>,
      %get3A_360 = vector.shape_cast %get3A_359 : vector<16xf32> to vector<16xf32>
      %swap3A_361 = arith.index_cast %add3A_357 : i32 to index
      %swap3A_362 = tpu.vector_load %arg7[%swap3A_361] {strides = array<i32>} : memref<18432xf32, #tpu.memory_space<vmem>>, vector<16xf32>,
      %swap3A_363 = vector.shape_cast %swap3A_362 : vector<16xf32> to vector<16xf32>
      %swap3A_364 = vector.shape_cast %get3A_360 : vector<16xf32> to vector<16xf32>
      tpu.vector_store %arg7[%swap3A_361], %swap3A_364 {add = true, strides = array<i32>} : memref<18432xf32, #tpu.memory_space<vmem>>, vector<16xf32>,
      %add3A_365 = arith.constant 80 : i32
      %add3A_366 = arith.addi %mul3A_321, %add3A_365 : i32
      %get3A_367 = arith.index_cast %add3A_366 : i32 to index
      %get3A_368 = tpu.vector_load %arg10[%get3A_367] {strides = array<i32>} : memref<18432xf32, #tpu.memory_space<vmem>>, vector<16xf32>,
      %get3A_369 = vector.shape_cast %get3A_368 : vector<16xf32> to vector<16xf32>
      %swap3A_370 = arith.index_cast %add3A_366 : i32 to index
      %swap3A_371 = tpu.vector_load %arg7[%swap3A_370] {strides = array<i32>} : memref<18432xf32, #tpu.memory_space<vmem>>, vector<16xf32>,
      %swap3A_372 = vector.shape_cast %swap3A_371 : vector<16xf32> to vector<16xf32>
      %swap3A_373 = vector.shape_cast %get3A_369 : vector<16xf32> to vector<16xf32>
      tpu.vector_store %arg7[%swap3A_370], %swap3A_373 {add = true, strides = array<i32>} : memref<18432xf32, #tpu.memory_space<vmem>>, vector<16xf32>,
      %add3A_374 = arith.constant 96 : i32
      %add3A_375 = arith.addi %mul3A_321, %add3A_374 : i32
      %get3A_376 = arith.index_cast %add3A_375 : i32 to index
      %get3A_377 = tpu.vector_load %arg10[%get3A_376] {strides = array<i32>} : memref<18432xf32, #tpu.memory_space<vmem>>, vector<16xf32>,
      %get3A_378 = vector.shape_cast %get3A_377 : vector<16xf32> to vector<16xf32>
      %swap3A_379 = arith.index_cast %add3A_375 : i32 to index
      %swap3A_380 = tpu.vector_load %arg7[%swap3A_379] {strides = array<i32>} : memref<18432xf32, #tpu.memory_space<vmem>>, vector<16xf32>,
      %swap3A_381 = vector.shape_cast %swap3A_380 : vector<16xf32> to vector<16xf32>
      %swap3A_382 = vector.shape_cast %get3A_378 : vector<16xf32> to vector<16xf32>
      tpu.vector_store %arg7[%swap3A_379], %swap3A_382 {add = true, strides = array<i32>} : memref<18432xf32, #tpu.memory_space<vmem>>, vector<16xf32>,
      %add3A_383 = arith.constant 112 : i32
      %add3A_384 = arith.addi %mul3A_321, %add3A_383 : i32
      %get3A_385 = arith.index_cast %add3A_384 : i32 to index
      %get3A_386 = tpu.vector_load %arg10[%get3A_385] {strides = array<i32>} : memref<18432xf32, #tpu.memory_space<vmem>>, vector<16xf32>,
      %get3A_387 = vector.shape_cast %get3A_386 : vector<16xf32> to vector<16xf32>
      %swap3A_388 = arith.index_cast %add3A_384 : i32 to index
      %swap3A_389 = tpu.vector_load %arg7[%swap3A_388] {strides = array<i32>} : memref<18432xf32, #tpu.memory_space<vmem>>, vector<16xf32>,
      %swap3A_390 = vector.shape_cast %swap3A_389 : vector<16xf32> to vector<16xf32>
      %swap3A_391 = vector.shape_cast %get3A_387 : vector<16xf32> to vector<16xf32>
      tpu.vector_store %arg7[%swap3A_388], %swap3A_391 {add = true, strides = array<i32>} : memref<18432xf32, #tpu.memory_space<vmem>>, vector<16xf32>,
    }
    %scan3A_129 = arith.constant 144 : i32
    %mul3A_130 = arith.constant 2 : i32
    %mul3A_131 = arith.muli %add3A, %mul3A_130 : i32
    %add3A_132 = arith.constant 0 : i32
    %add3A_133 = arith.addi %mul3A_131, %add3A_132 : i32
    %mul3A_134 = arith.constant 442368 : i32
    %mul3A_135 = arith.muli %add3A_133, %mul3A_134 : i32
    %add3A_136 = arith.constant 18432 : i32
    %add3A_137 = arith.addi %mul3A_135, %add3A_136 : i32
    %dma_start3A_138 = tpu.memref_slice %arg4[%add3A_137] : memref<28311552xf32, #tpu.memory_space<hbm>> -> memref<18432xf32, #tpu.memory_space<hbm>>
    %dma_start3A_139 = tpu.memref_slice %arg4[%add3A_137] : memref<28311552xf32, #tpu.memory_space<hbm>> -> memref<18432xf32, #tpu.memory_space<hbm>>
    tpu.enqueue_dma source(%arg7 : memref<18432xf32, #tpu.memory_space<vmem>>) target(%dma_start3A_139 : memref<18432xf32, #tpu.memory_space<hbm>>) target_semaphore(%arg17 : memref<!tpu.dma_semaphore, #tpu.memory_space<semaphore_mem>>)
    %dma_wait3A_140 = arith.constant 0 : i32
    %dma_wait3A_141 = tpu.memref_slice %arg4[%dma_wait3A_140] : memref<28311552xf32, #tpu.memory_space<hbm>> -> memref<18432xf32, #tpu.memory_space<hbm>>
    %dma_wait3A_142 = arith.constant 0 : i32
    %dma_wait3A_143 = tpu.memref_slice %arg4[%dma_wait3A_142] : memref<28311552xf32, #tpu.memory_space<hbm>> -> memref<18432xf32, #tpu.memory_space<hbm>>
    tpu.wait_dma2 semaphore(%arg16 : memref<!tpu.dma_semaphore, #tpu.memory_space<semaphore_mem>>) src(%arg6 : memref<18432xf32, #tpu.memory_space<vmem>>) dst(%dma_wait3A_143 : memref<18432xf32, #tpu.memory_space<hbm>>)
    %mul3A_144 = arith.constant 2 : i32
    %mul3A_145 = arith.muli %add3A, %mul3A_144 : i32
    %add3A_146 = arith.constant 1 : i32
    %add3A_147 = arith.addi %mul3A_145, %add3A_146 : i32
    %mul3A_148 = arith.constant 442368 : i32
    %mul3A_149 = arith.muli %add3A_147, %mul3A_148 : i32
    %add3A_150 = arith.constant 36864 : i32
    %add3A_151 = arith.addi %mul3A_149, %add3A_150 : i32
    %dma_start3A_152 = tpu.memref_slice %arg2[%add3A_151] : memref<28311552xf32, #tpu.memory_space<hbm>> -> memref<18432xf32, #tpu.memory_space<hbm>>
    %dma_start3A_153 = tpu.memref_slice %arg2[%add3A_151] : memref<28311552xf32, #tpu.memory_space<hbm>> -> memref<18432xf32, #tpu.memory_space<hbm>>
    tpu.enqueue_dma source(%dma_start3A_153 : memref<18432xf32, #tpu.memory_space<hbm>>) target(%arg6 : memref<18432xf32, #tpu.memory_space<vmem>>) target_semaphore(%arg12 : memref<!tpu.dma_semaphore, #tpu.memory_space<semaphore_mem>>)
    %dma_wait3A_154 = arith.constant 0 : i32
    %dma_wait3A_155 = tpu.memref_slice %arg2[%dma_wait3A_154] : memref<28311552xf32, #tpu.memory_space<hbm>> -> memref<18432xf32, #tpu.memory_space<hbm>>
    %dma_wait3A_156 = arith.constant 0 : i32
    %dma_wait3A_157 = tpu.memref_slice %arg2[%dma_wait3A_156] : memref<28311552xf32, #tpu.memory_space<hbm>> -> memref<18432xf32, #tpu.memory_space<hbm>>
    tpu.wait_dma2 semaphore(%arg14 : memref<!tpu.dma_semaphore, #tpu.memory_space<semaphore_mem>>) src(%dma_wait3A_157 : memref<18432xf32, #tpu.memory_space<hbm>>) dst(%arg8 : memref<18432xf32, #tpu.memory_space<vmem>>)
    %scan3A_158 = arith.constant 0 : i32
    %scan3A_159 = arith.constant 0 : i32
    %scan3A_160 = arith.constant 144 : i32
    %scan3A_161 = arith.addi %scan3A_159, %scan3A_160 : i32
    %scan3A_162 = arith.constant 1 : i32
    scf.for %scan3A_319 = %scan3A_159 to %scan3A_161 step %scan3A_162  : i32 {
      %mul3A_320 = arith.constant 128 : i32
      %mul3A_321 = arith.muli %scan3A_319, %mul3A_320 : i32
      %add3A_322 = arith.constant 0 : i32
      %add3A_323 = arith.addi %mul3A_321, %add3A_322 : i32
      %get3A = arith.index_cast %add3A_323 : i32 to index
      %get3A_324 = tpu.vector_load %arg10[%get3A] {strides = array<i32>} : memref<18432xf32, #tpu.memory_space<vmem>>, vector<16xf32>,
      %get3A_325 = vector.shape_cast %get3A_324 : vector<16xf32> to vector<16xf32>
      %swap3A = arith.index_cast %add3A_323 : i32 to index
      %swap3A_326 = tpu.vector_load %arg8[%swap3A] {strides = array<i32>} : memref<18432xf32, #tpu.memory_space<vmem>>, vector<16xf32>,
      %swap3A_327 = vector.shape_cast %swap3A_326 : vector<16xf32> to vector<16xf32>
      %swap3A_328 = vector.shape_cast %get3A_325 : vector<16xf32> to vector<16xf32>
      tpu.vector_store %arg8[%swap3A], %swap3A_328 {add = true, strides = array<i32>} : memref<18432xf32, #tpu.memory_space<vmem>>, vector<16xf32>,
      %add3A_329 = arith.constant 16 : i32
      %add3A_330 = arith.addi %mul3A_321, %add3A_329 : i32
      %get3A_331 = arith.index_cast %add3A_330 : i32 to index
      %get3A_332 = tpu.vector_load %arg10[%get3A_331] {strides = array<i32>} : memref<18432xf32, #tpu.memory_space<vmem>>, vector<16xf32>,
      %get3A_333 = vector.shape_cast %get3A_332 : vector<16xf32> to vector<16xf32>
      %swap3A_334 = arith.index_cast %add3A_330 : i32 to index
      %swap3A_335 = tpu.vector_load %arg8[%swap3A_334] {strides = array<i32>} : memref<18432xf32, #tpu.memory_space<vmem>>, vector<16xf32>,
      %swap3A_336 = vector.shape_cast %swap3A_335 : vector<16xf32> to vector<16xf32>
      %swap3A_337 = vector.shape_cast %get3A_333 : vector<16xf32> to vector<16xf32>
      tpu.vector_store %arg8[%swap3A_334], %swap3A_337 {add = true, strides = array<i32>} : memref<18432xf32, #tpu.memory_space<vmem>>, vector<16xf32>,
      %add3A_338 = arith.constant 32 : i32
      %add3A_339 = arith.addi %mul3A_321, %add3A_338 : i32
      %get3A_340 = arith.index_cast %add3A_339 : i32 to index
      %get3A_341 = tpu.vector_load %arg10[%get3A_340] {strides = array<i32>} : memref<18432xf32, #tpu.memory_space<vmem>>, vector<16xf32>,
      %get3A_342 = vector.shape_cast %get3A_341 : vector<16xf32> to vector<16xf32>
      %swap3A_343 = arith.index_cast %add3A_339 : i32 to index
      %swap3A_344 = tpu.vector_load %arg8[%swap3A_343] {strides = array<i32>} : memref<18432xf32, #tpu.memory_space<vmem>>, vector<16xf32>,
      %swap3A_345 = vector.shape_cast %swap3A_344 : vector<16xf32> to vector<16xf32>
      %swap3A_346 = vector.shape_cast %get3A_342 : vector<16xf32> to vector<16xf32>
      tpu.vector_store %arg8[%swap3A_343], %swap3A_346 {add = true, strides = array<i32>} : memref<18432xf32, #tpu.memory_space<vmem>>, vector<16xf32>,
      %add3A_347 = arith.constant 48 : i32
      %add3A_348 = arith.addi %mul3A_321, %add3A_347 : i32
      %get3A_349 = arith.index_cast %add3A_348 : i32 to index
      %get3A_350 = tpu.vector_load %arg10[%get3A_349] {strides = array<i32>} : memref<18432xf32, #tpu.memory_space<vmem>>, vector<16xf32>,
      %get3A_351 = vector.shape_cast %get3A_350 : vector<16xf32> to vector<16xf32>
      %swap3A_352 = arith.index_cast %add3A_348 : i32 to index
      %swap3A_353 = tpu.vector_load %arg8[%swap3A_352] {strides = array<i32>} : memref<18432xf32, #tpu.memory_space<vmem>>, vector<16xf32>,
      %swap3A_354 = vector.shape_cast %swap3A_353 : vector<16xf32> to vector<16xf32>
      %swap3A_355 = vector.shape_cast %get3A_351 : vector<16xf32> to vector<16xf32>
      tpu.vector_store %arg8[%swap3A_352], %swap3A_355 {add = true, strides = array<i32>} : memref<18432xf32, #tpu.memory_space<vmem>>, vector<16xf32>,
      %add3A_356 = arith.constant 64 : i32
      %add3A_357 = arith.addi %mul3A_321, %add3A_356 : i32
      %get3A_358 = arith.index_cast %add3A_357 : i32 to index
      %get3A_359 = tpu.vector_load %arg10[%get3A_358] {strides = array<i32>} : memref<18432xf32, #tpu.memory_space<vmem>>, vector<16xf32>,
      %get3A_360 = vector.shape_cast %get3A_359 : vector<16xf32> to vector<16xf32>
      %swap3A_361 = arith.index_cast %add3A_357 : i32 to index
      %swap3A_362 = tpu.vector_load %arg8[%swap3A_361] {strides = array<i32>} : memref<18432xf32, #tpu.memory_space<vmem>>, vector<16xf32>,
      %swap3A_363 = vector.shape_cast %swap3A_362 : vector<16xf32> to vector<16xf32>
      %swap3A_364 = vector.shape_cast %get3A_360 : vector<16xf32> to vector<16xf32>
      tpu.vector_store %arg8[%swap3A_361], %swap3A_364 {add = true, strides = array<i32>} : memref<18432xf32, #tpu.memory_space<vmem>>, vector<16xf32>,
      %add3A_365 = arith.constant 80 : i32
      %add3A_366 = arith.addi %mul3A_321, %add3A_365 : i32
      %get3A_367 = arith.index_cast %add3A_366 : i32 to index
      %get3A_368 = tpu.vector_load %arg10[%get3A_367] {strides = array<i32>} : memref<18432xf32, #tpu.memory_space<vmem>>, vector<16xf32>,
      %get3A_369 = vector.shape_cast %get3A_368 : vector<16xf32> to vector<16xf32>
      %swap3A_370 = arith.index_cast %add3A_366 : i32 to index
      %swap3A_371 = tpu.vector_load %arg8[%swap3A_370] {strides = array<i32>} : memref<18432xf32, #tpu.memory_space<vmem>>, vector<16xf32>,
      %swap3A_372 = vector.shape_cast %swap3A_371 : vector<16xf32> to vector<16xf32>
      %swap3A_373 = vector.shape_cast %get3A_369 : vector<16xf32> to vector<16xf32>
      tpu.vector_store %arg8[%swap3A_370], %swap3A_373 {add = true, strides = array<i32>} : memref<18432xf32, #tpu.memory_space<vmem>>, vector<16xf32>,
      %add3A_374 = arith.constant 96 : i32
      %add3A_375 = arith.addi %mul3A_321, %add3A_374 : i32
      %get3A_376 = arith.index_cast %add3A_375 : i32 to index
      %get3A_377 = tpu.vector_load %arg10[%get3A_376] {strides = array<i32>} : memref<18432xf32, #tpu.memory_space<vmem>>, vector<16xf32>,
      %get3A_378 = vector.shape_cast %get3A_377 : vector<16xf32> to vector<16xf32>
      %swap3A_379 = arith.index_cast %add3A_375 : i32 to index
      %swap3A_380 = tpu.vector_load %arg8[%swap3A_379] {strides = array<i32>} : memref<18432xf32, #tpu.memory_space<vmem>>, vector<16xf32>,
      %swap3A_381 = vector.shape_cast %swap3A_380 : vector<16xf32> to vector<16xf32>
      %swap3A_382 = vector.shape_cast %get3A_378 : vector<16xf32> to vector<16xf32>
      tpu.vector_store %arg8[%swap3A_379], %swap3A_382 {add = true, strides = array<i32>} : memref<18432xf32, #tpu.memory_space<vmem>>, vector<16xf32>,
      %add3A_383 = arith.constant 112 : i32
      %add3A_384 = arith.addi %mul3A_321, %add3A_383 : i32
      %get3A_385 = arith.index_cast %add3A_384 : i32 to index
      %get3A_386 = tpu.vector_load %arg10[%get3A_385] {strides = array<i32>} : memref<18432xf32, #tpu.memory_space<vmem>>, vector<16xf32>,
      %get3A_387 = vector.shape_cast %get3A_386 : vector<16xf32> to vector<16xf32>
      %swap3A_388 = arith.index_cast %add3A_384 : i32 to index
      %swap3A_389 = tpu.vector_load %arg8[%swap3A_388] {strides = array<i32>} : memref<18432xf32, #tpu.memory_space<vmem>>, vector<16xf32>,
      %swap3A_390 = vector.shape_cast %swap3A_389 : vector<16xf32> to vector<16xf32>
      %swap3A_391 = vector.shape_cast %get3A_387 : vector<16xf32> to vector<16xf32>
      tpu.vector_store %arg8[%swap3A_388], %swap3A_391 {add = true, strides = array<i32>} : memref<18432xf32, #tpu.memory_space<vmem>>, vector<16xf32>,
    }
    %scan3A_163 = arith.constant 144 : i32
    %mul3A_164 = arith.constant 2 : i32
    %mul3A_165 = arith.muli %add3A, %mul3A_164 : i32
    %add3A_166 = arith.constant 1 : i32
    %add3A_167 = arith.addi %mul3A_165, %add3A_166 : i32
    %mul3A_168 = arith.constant 442368 : i32
    %mul3A_169 = arith.muli %add3A_167, %mul3A_168 : i32
    %add3A_170 = arith.constant 18432 : i32
    %add3A_171 = arith.addi %mul3A_169, %add3A_170 : i32
    %dma_start3A_172 = tpu.memref_slice %arg4[%add3A_171] : memref<28311552xf32, #tpu.memory_space<hbm>> -> memref<18432xf32, #tpu.memory_space<hbm>>
    %dma_start3A_173 = tpu.memref_slice %arg4[%add3A_171] : memref<28311552xf32, #tpu.memory_space<hbm>> -> memref<18432xf32, #tpu.memory_space<hbm>>
    tpu.enqueue_dma source(%arg8 : memref<18432xf32, #tpu.memory_space<vmem>>) target(%dma_start3A_173 : memref<18432xf32, #tpu.memory_space<hbm>>) target_semaphore(%arg18 : memref<!tpu.dma_semaphore, #tpu.memory_space<semaphore_mem>>)
    %dma_wait3A_174 = arith.constant 0 : i32
    %dma_wait3A_175 = tpu.memref_slice %arg4[%dma_wait3A_174] : memref<28311552xf32, #tpu.memory_space<hbm>> -> memref<18432xf32, #tpu.memory_space<hbm>>
    %dma_wait3A_176 = arith.constant 0 : i32
    %dma_wait3A_177 = tpu.memref_slice %arg4[%dma_wait3A_176] : memref<28311552xf32, #tpu.memory_space<hbm>> -> memref<18432xf32, #tpu.memory_space<hbm>>
    tpu.wait_dma2 semaphore(%arg17 : memref<!tpu.dma_semaphore, #tpu.memory_space<semaphore_mem>>) src(%arg7 : memref<18432xf32, #tpu.memory_space<vmem>>) dst(%dma_wait3A_177 : memref<18432xf32, #tpu.memory_space<hbm>>)
    %mul3A_178 = arith.constant 2 : i32
    %mul3A_179 = arith.muli %add3A, %mul3A_178 : i32
    %add3A_180 = arith.constant 0 : i32
    %add3A_181 = arith.addi %mul3A_179, %add3A_180 : i32
    %mul3A_182 = arith.constant 442368 : i32
    %mul3A_183 = arith.muli %add3A_181, %mul3A_182 : i32
    %add3A_184 = arith.constant 55296 : i32
    %add3A_185 = arith.addi %mul3A_183, %add3A_184 : i32
    %dma_start3A_186 = tpu.memref_slice %arg2[%add3A_185] : memref<28311552xf32, #tpu.memory_space<hbm>> -> memref<18432xf32, #tpu.memory_space<hbm>>
    %dma_start3A_187 = tpu.memref_slice %arg2[%add3A_185] : memref<28311552xf32, #tpu.memory_space<hbm>> -> memref<18432xf32, #tpu.memory_space<hbm>>
    tpu.enqueue_dma source(%dma_start3A_187 : memref<18432xf32, #tpu.memory_space<hbm>>) target(%arg7 : memref<18432xf32, #tpu.memory_space<vmem>>) target_semaphore(%arg13 : memref<!tpu.dma_semaphore, #tpu.memory_space<semaphore_mem>>)
    %scan3A_188 = arith.constant 0 : i32
    %scan3A_189 = arith.constant 1 : i32
    %scan3A_190 = arith.constant 10 : i32
    %scan3A_191 = arith.addi %scan3A_189, %scan3A_190 : i32
    %scan3A_192 = arith.constant 1 : i32
    scf.for %scan3A_319 = %scan3A_189 to %scan3A_191 step %scan3A_192  : i32 {
      %mul3A_320 = arith.constant 4 : i32
      %mul3A_321 = arith.muli %mul3A_320, %scan3A_319 : i32
      %add3A_322 = arith.constant 0 : i32
      %add3A_323 = arith.addi %mul3A_321, %add3A_322 : i32
      %dma_wait3A_324 = arith.constant 0 : i32
      %dma_wait3A_325 = tpu.memref_slice %arg3[%dma_wait3A_324] : memref<442368xf32, #tpu.memory_space<hbm>> -> memref<18432xf32, #tpu.memory_space<hbm>>
      %dma_wait3A_326 = arith.constant 0 : i32
      %dma_wait3A_327 = tpu.memref_slice %arg3[%dma_wait3A_326] : memref<442368xf32, #tpu.memory_space<hbm>> -> memref<18432xf32, #tpu.memory_space<hbm>>
      tpu.wait_dma2 semaphore(%arg19 : memref<!tpu.dma_semaphore, #tpu.memory_space<semaphore_mem>>) src(%dma_wait3A_327 : memref<18432xf32, #tpu.memory_space<hbm>>) dst(%arg9 : memref<18432xf32, #tpu.memory_space<vmem>>)
      %jit3A = arith.constant 2 : i32
      %div3A = arith.divsi %add3A_323, %jit3A : i32
      %sign3A = arith.constant 0 : i32
      %sign3A_328 = arith.cmpi sgt, %add3A_323, %sign3A : i32
      %sign3A_329 = arith.extui %sign3A_328 : i1 to i32
      %sign3A_330 = arith.constant 0 : i32
      %sign3A_331 = arith.cmpi slt, %add3A_323, %sign3A_330 : i32
      %sign3A_332 = arith.extui %sign3A_331 : i1 to i32
      %sign3A_333 = arith.subi %sign3A_329, %sign3A_332 : i32
      %sign3A_334 = arith.constant 0 : i32
      %sign3A_335 = arith.cmpi sgt, %jit3A, %sign3A_334 : i32
      %sign3A_336 = arith.extui %sign3A_335 : i1 to i32
      %sign3A_337 = arith.constant 0 : i32
      %sign3A_338 = arith.cmpi slt, %jit3A, %sign3A_337 : i32
      %sign3A_339 = arith.extui %sign3A_338 : i1 to i32
      %sign3A_340 = arith.subi %sign3A_336, %sign3A_339 : i32
      %ne3A = arith.cmpi ne, %sign3A_333, %sign3A_340 : i32
      %rem3A = arith.remsi %add3A_323, %jit3A : i32
      %ne3A_341 = arith.constant 0 : i32
      %ne3A_342 = arith.cmpi ne, %rem3A, %ne3A_341 : i32
      %and3A = arith.andi %ne3A, %ne3A_342 : i1
      %sub3A = arith.constant 1 : i32
      %sub3A_343 = arith.subi %div3A, %sub3A : i32
      %select_n3A = arith.select %and3A, %sub3A_343, %div3A : i32
      %add3A_344 = arith.constant 1 : i32
      %add3A_345 = arith.addi %select_n3A, %add3A_344 : i32
      %min3A_346 = arith.constant 23 : i32
      %min3A_347 = arith.minsi %add3A_345, %min3A_346 : i32
      %mul3A_348 = arith.constant 18432 : i32
      %mul3A_349 = arith.muli %min3A_347, %mul3A_348 : i32
      %dma_start3A_350 = tpu.memref_slice %arg3[%mul3A_349] : memref<442368xf32, #tpu.memory_space<hbm>> -> memref<18432xf32, #tpu.memory_space<hbm>>
      %dma_start3A_351 = tpu.memref_slice %arg3[%mul3A_349] : memref<442368xf32, #tpu.memory_space<hbm>> -> memref<18432xf32, #tpu.memory_space<hbm>>
      tpu.enqueue_dma source(%dma_start3A_351 : memref<18432xf32, #tpu.memory_space<hbm>>) target(%arg10 : memref<18432xf32, #tpu.memory_space<vmem>>) target_semaphore(%arg20 : memref<!tpu.dma_semaphore, #tpu.memory_space<semaphore_mem>>)
      %dma_wait3A_352 = arith.constant 0 : i32
      %dma_wait3A_353 = tpu.memref_slice %arg2[%dma_wait3A_352] : memref<28311552xf32, #tpu.memory_space<hbm>> -> memref<18432xf32, #tpu.memory_space<hbm>>
      %dma_wait3A_354 = arith.constant 0 : i32
      %dma_wait3A_355 = tpu.memref_slice %arg2[%dma_wait3A_354] : memref<28311552xf32, #tpu.memory_space<hbm>> -> memref<18432xf32, #tpu.memory_space<hbm>>
      tpu.wait_dma2 semaphore(%arg11 : memref<!tpu.dma_semaphore, #tpu.memory_space<semaphore_mem>>) src(%dma_wait3A_355 : memref<18432xf32, #tpu.memory_space<hbm>>) dst(%arg5 : memref<18432xf32, #tpu.memory_space<vmem>>)
      %scan3A_356 = arith.constant 0 : i32
      %scan3A_357 = arith.constant 0 : i32
      %scan3A_358 = arith.constant 144 : i32
      %scan3A_359 = arith.addi %scan3A_357, %scan3A_358 : i32
      %scan3A_360 = arith.constant 1 : i32
      scf.for %scan3A_760 = %scan3A_357 to %scan3A_359 step %scan3A_360  : i32 {
        %mul3A_761 = arith.constant 128 : i32
        %mul3A_762 = arith.muli %scan3A_760, %mul3A_761 : i32
        %add3A_763 = arith.constant 0 : i32
        %add3A_764 = arith.addi %mul3A_762, %add3A_763 : i32
        %get3A = arith.index_cast %add3A_764 : i32 to index
        %get3A_765 = tpu.vector_load %arg9[%get3A] {strides = array<i32>} : memref<18432xf32, #tpu.memory_space<vmem>>, vector<16xf32>,
        %get3A_766 = vector.shape_cast %get3A_765 : vector<16xf32> to vector<16xf32>
        %swap3A = arith.index_cast %add3A_764 : i32 to index
        %swap3A_767 = tpu.vector_load %arg5[%swap3A] {strides = array<i32>} : memref<18432xf32, #tpu.memory_space<vmem>>, vector<16xf32>,
        %swap3A_768 = vector.shape_cast %swap3A_767 : vector<16xf32> to vector<16xf32>
        %swap3A_769 = vector.shape_cast %get3A_766 : vector<16xf32> to vector<16xf32>
        tpu.vector_store %arg5[%swap3A], %swap3A_769 {add = true, strides = array<i32>} : memref<18432xf32, #tpu.memory_space<vmem>>, vector<16xf32>,
        %add3A_770 = arith.constant 16 : i32
        %add3A_771 = arith.addi %mul3A_762, %add3A_770 : i32
        %get3A_772 = arith.index_cast %add3A_771 : i32 to index
        %get3A_773 = tpu.vector_load %arg9[%get3A_772] {strides = array<i32>} : memref<18432xf32, #tpu.memory_space<vmem>>, vector<16xf32>,
        %get3A_774 = vector.shape_cast %get3A_773 : vector<16xf32> to vector<16xf32>
        %swap3A_775 = arith.index_cast %add3A_771 : i32 to index
        %swap3A_776 = tpu.vector_load %arg5[%swap3A_775] {strides = array<i32>} : memref<18432xf32, #tpu.memory_space<vmem>>, vector<16xf32>,
        %swap3A_777 = vector.shape_cast %swap3A_776 : vector<16xf32> to vector<16xf32>
        %swap3A_778 = vector.shape_cast %get3A_774 : vector<16xf32> to vector<16xf32>
        tpu.vector_store %arg5[%swap3A_775], %swap3A_778 {add = true, strides = array<i32>} : memref<18432xf32, #tpu.memory_space<vmem>>, vector<16xf32>,
        %add3A_779 = arith.constant 32 : i32
        %add3A_780 = arith.addi %mul3A_762, %add3A_779 : i32
        %get3A_781 = arith.index_cast %add3A_780 : i32 to index
        %get3A_782 = tpu.vector_load %arg9[%get3A_781] {strides = array<i32>} : memref<18432xf32, #tpu.memory_space<vmem>>, vector<16xf32>,
        %get3A_783 = vector.shape_cast %get3A_782 : vector<16xf32> to vector<16xf32>
        %swap3A_784 = arith.index_cast %add3A_780 : i32 to index
        %swap3A_785 = tpu.vector_load %arg5[%swap3A_784] {strides = array<i32>} : memref<18432xf32, #tpu.memory_space<vmem>>, vector<16xf32>,
        %swap3A_786 = vector.shape_cast %swap3A_785 : vector<16xf32> to vector<16xf32>
        %swap3A_787 = vector.shape_cast %get3A_783 : vector<16xf32> to vector<16xf32>
        tpu.vector_store %arg5[%swap3A_784], %swap3A_787 {add = true, strides = array<i32>} : memref<18432xf32, #tpu.memory_space<vmem>>, vector<16xf32>,
        %add3A_788 = arith.constant 48 : i32
        %add3A_789 = arith.addi %mul3A_762, %add3A_788 : i32
        %get3A_790 = arith.index_cast %add3A_789 : i32 to index
        %get3A_791 = tpu.vector_load %arg9[%get3A_790] {strides = array<i32>} : memref<18432xf32, #tpu.memory_space<vmem>>, vector<16xf32>,
        %get3A_792 = vector.shape_cast %get3A_791 : vector<16xf32> to vector<16xf32>
        %swap3A_793 = arith.index_cast %add3A_789 : i32 to index
        %swap3A_794 = tpu.vector_load %arg5[%swap3A_793] {strides = array<i32>} : memref<18432xf32, #tpu.memory_space<vmem>>, vector<16xf32>,
        %swap3A_795 = vector.shape_cast %swap3A_794 : vector<16xf32> to vector<16xf32>
        %swap3A_796 = vector.shape_cast %get3A_792 : vector<16xf32> to vector<16xf32>
        tpu.vector_store %arg5[%swap3A_793], %swap3A_796 {add = true, strides = array<i32>} : memref<18432xf32, #tpu.memory_space<vmem>>, vector<16xf32>,
        %add3A_797 = arith.constant 64 : i32
        %add3A_798 = arith.addi %mul3A_762, %add3A_797 : i32
        %get3A_799 = arith.index_cast %add3A_798 : i32 to index
        %get3A_800 = tpu.vector_load %arg9[%get3A_799] {strides = array<i32>} : memref<18432xf32, #tpu.memory_space<vmem>>, vector<16xf32>,
        %get3A_801 = vector.shape_cast %get3A_800 : vector<16xf32> to vector<16xf32>
        %swap3A_802 = arith.index_cast %add3A_798 : i32 to index
        %swap3A_803 = tpu.vector_load %arg5[%swap3A_802] {strides = array<i32>} : memref<18432xf32, #tpu.memory_space<vmem>>, vector<16xf32>,
        %swap3A_804 = vector.shape_cast %swap3A_803 : vector<16xf32> to vector<16xf32>
        %swap3A_805 = vector.shape_cast %get3A_801 : vector<16xf32> to vector<16xf32>
        tpu.vector_store %arg5[%swap3A_802], %swap3A_805 {add = true, strides = array<i32>} : memref<18432xf32, #tpu.memory_space<vmem>>, vector<16xf32>,
        %add3A_806 = arith.constant 80 : i32
        %add3A_807 = arith.addi %mul3A_762, %add3A_806 : i32
        %get3A_808 = arith.index_cast %add3A_807 : i32 to index
        %get3A_809 = tpu.vector_load %arg9[%get3A_808] {strides = array<i32>} : memref<18432xf32, #tpu.memory_space<vmem>>, vector<16xf32>,
        %get3A_810 = vector.shape_cast %get3A_809 : vector<16xf32> to vector<16xf32>
        %swap3A_811 = arith.index_cast %add3A_807 : i32 to index
        %swap3A_812 = tpu.vector_load %arg5[%swap3A_811] {strides = array<i32>} : memref<18432xf32, #tpu.memory_space<vmem>>, vector<16xf32>,
        %swap3A_813 = vector.shape_cast %swap3A_812 : vector<16xf32> to vector<16xf32>
        %swap3A_814 = vector.shape_cast %get3A_810 : vector<16xf32> to vector<16xf32>
        tpu.vector_store %arg5[%swap3A_811], %swap3A_814 {add = true, strides = array<i32>} : memref<18432xf32, #tpu.memory_space<vmem>>, vector<16xf32>,
        %add3A_815 = arith.constant 96 : i32
        %add3A_816 = arith.addi %mul3A_762, %add3A_815 : i32
        %get3A_817 = arith.index_cast %add3A_816 : i32 to index
        %get3A_818 = tpu.vector_load %arg9[%get3A_817] {strides = array<i32>} : memref<18432xf32, #tpu.memory_space<vmem>>, vector<16xf32>,
        %get3A_819 = vector.shape_cast %get3A_818 : vector<16xf32> to vector<16xf32>
        %swap3A_820 = arith.index_cast %add3A_816 : i32 to index
        %swap3A_821 = tpu.vector_load %arg5[%swap3A_820] {strides = array<i32>} : memref<18432xf32, #tpu.memory_space<vmem>>, vector<16xf32>,
        %swap3A_822 = vector.shape_cast %swap3A_821 : vector<16xf32> to vector<16xf32>
        %swap3A_823 = vector.shape_cast %get3A_819 : vector<16xf32> to vector<16xf32>
        tpu.vector_store %arg5[%swap3A_820], %swap3A_823 {add = true, strides = array<i32>} : memref<18432xf32, #tpu.memory_space<vmem>>, vector<16xf32>,
        %add3A_824 = arith.constant 112 : i32
        %add3A_825 = arith.addi %mul3A_762, %add3A_824 : i32
        %get3A_826 = arith.index_cast %add3A_825 : i32 to index
        %get3A_827 = tpu.vector_load %arg9[%get3A_826] {strides = array<i32>} : memref<18432xf32, #tpu.memory_space<vmem>>, vector<16xf32>,
        %get3A_828 = vector.shape_cast %get3A_827 : vector<16xf32> to vector<16xf32>
        %swap3A_829 = arith.index_cast %add3A_825 : i32 to index
        %swap3A_830 = tpu.vector_load %arg5[%swap3A_829] {strides = array<i32>} : memref<18432xf32, #tpu.memory_space<vmem>>, vector<16xf32>,
        %swap3A_831 = vector.shape_cast %swap3A_830 : vector<16xf32> to vector<16xf32>
        %swap3A_832 = vector.shape_cast %get3A_828 : vector<16xf32> to vector<16xf32>
        tpu.vector_store %arg5[%swap3A_829], %swap3A_832 {add = true, strides = array<i32>} : memref<18432xf32, #tpu.memory_space<vmem>>, vector<16xf32>,
      }
      %scan3A_361 = arith.constant 144 : i32
      %jit3A_362 = arith.constant 2 : i32
      %div3A_363 = arith.divsi %add3A_323, %jit3A_362 : i32
      %sign3A_364 = arith.constant 0 : i32
      %sign3A_365 = arith.cmpi sgt, %add3A_323, %sign3A_364 : i32
      %sign3A_366 = arith.extui %sign3A_365 : i1 to i32
      %sign3A_367 = arith.constant 0 : i32
      %sign3A_368 = arith.cmpi slt, %add3A_323, %sign3A_367 : i32
      %sign3A_369 = arith.extui %sign3A_368 : i1 to i32
      %sign3A_370 = arith.subi %sign3A_366, %sign3A_369 : i32
      %sign3A_371 = arith.constant 0 : i32
      %sign3A_372 = arith.cmpi sgt, %jit3A_362, %sign3A_371 : i32
      %sign3A_373 = arith.extui %sign3A_372 : i1 to i32
      %sign3A_374 = arith.constant 0 : i32
      %sign3A_375 = arith.cmpi slt, %jit3A_362, %sign3A_374 : i32
      %sign3A_376 = arith.extui %sign3A_375 : i1 to i32
      %sign3A_377 = arith.subi %sign3A_373, %sign3A_376 : i32
      %ne3A_378 = arith.cmpi ne, %sign3A_370, %sign3A_377 : i32
      %rem3A_379 = arith.remsi %add3A_323, %jit3A_362 : i32
      %ne3A_380 = arith.constant 0 : i32
      %ne3A_381 = arith.cmpi ne, %rem3A_379, %ne3A_380 : i32
      %and3A_382 = arith.andi %ne3A_378, %ne3A_381 : i1
      %sub3A_383 = arith.constant 1 : i32
      %sub3A_384 = arith.subi %div3A_363, %sub3A_383 : i32
      %select_n3A_385 = arith.select %and3A_382, %sub3A_384, %div3A_363 : i32
      %mul3A_386 = arith.constant 2 : i32
      %mul3A_387 = arith.muli %mul3A_386, %select_n3A_385 : i32
      %sub3A_388 = arith.subi %add3A_323, %mul3A_387 : i32
      %mul3A_389 = arith.constant 2 : i32
      %mul3A_390 = arith.muli %add3A, %mul3A_389 : i32
      %add3A_391 = arith.addi %mul3A_390, %sub3A_388 : i32
      %mul3A_392 = arith.constant 442368 : i32
      %mul3A_393 = arith.muli %add3A_391, %mul3A_392 : i32
      %mul3A_394 = arith.constant 18432 : i32
      %mul3A_395 = arith.muli %select_n3A_385, %mul3A_394 : i32
      %add3A_396 = arith.addi %mul3A_393, %mul3A_395 : i32
      %dma_start3A_397 = tpu.memref_slice %arg4[%add3A_396] : memref<28311552xf32, #tpu.memory_space<hbm>> -> memref<18432xf32, #tpu.memory_space<hbm>>
      %dma_start3A_398 = tpu.memref_slice %arg4[%add3A_396] : memref<28311552xf32, #tpu.memory_space<hbm>> -> memref<18432xf32, #tpu.memory_space<hbm>>
      tpu.enqueue_dma source(%arg5 : memref<18432xf32, #tpu.memory_space<vmem>>) target(%dma_start3A_398 : memref<18432xf32, #tpu.memory_space<hbm>>) target_semaphore(%arg15 : memref<!tpu.dma_semaphore, #tpu.memory_space<semaphore_mem>>)
      %dma_wait3A_399 = arith.constant 0 : i32
      %dma_wait3A_400 = tpu.memref_slice %arg4[%dma_wait3A_399] : memref<28311552xf32, #tpu.memory_space<hbm>> -> memref<18432xf32, #tpu.memory_space<hbm>>
      %dma_wait3A_401 = arith.constant 0 : i32
      %dma_wait3A_402 = tpu.memref_slice %arg4[%dma_wait3A_401] : memref<28311552xf32, #tpu.memory_space<hbm>> -> memref<18432xf32, #tpu.memory_space<hbm>>
      tpu.wait_dma2 semaphore(%arg18 : memref<!tpu.dma_semaphore, #tpu.memory_space<semaphore_mem>>) src(%arg8 : memref<18432xf32, #tpu.memory_space<vmem>>) dst(%dma_wait3A_402 : memref<18432xf32, #tpu.memory_space<hbm>>)
      %add3A_403 = arith.constant 3 : i32
      %add3A_404 = arith.addi %add3A_323, %add3A_403 : i32
      %jit3A_405 = arith.constant 2 : i32
      %div3A_406 = arith.divsi %add3A_404, %jit3A_405 : i32
      %sign3A_407 = arith.constant 0 : i32
      %sign3A_408 = arith.cmpi sgt, %add3A_404, %sign3A_407 : i32
      %sign3A_409 = arith.extui %sign3A_408 : i1 to i32
      %sign3A_410 = arith.constant 0 : i32
      %sign3A_411 = arith.cmpi slt, %add3A_404, %sign3A_410 : i32
      %sign3A_412 = arith.extui %sign3A_411 : i1 to i32
      %sign3A_413 = arith.subi %sign3A_409, %sign3A_412 : i32
      %sign3A_414 = arith.constant 0 : i32
      %sign3A_415 = arith.cmpi sgt, %jit3A_405, %sign3A_414 : i32
      %sign3A_416 = arith.extui %sign3A_415 : i1 to i32
      %sign3A_417 = arith.constant 0 : i32
      %sign3A_418 = arith.cmpi slt, %jit3A_405, %sign3A_417 : i32
      %sign3A_419 = arith.extui %sign3A_418 : i1 to i32
      %sign3A_420 = arith.subi %sign3A_416, %sign3A_419 : i32
      %ne3A_421 = arith.cmpi ne, %sign3A_413, %sign3A_420 : i32
      %rem3A_422 = arith.remsi %add3A_404, %jit3A_405 : i32
      %ne3A_423 = arith.constant 0 : i32
      %ne3A_424 = arith.cmpi ne, %rem3A_422, %ne3A_423 : i32
      %and3A_425 = arith.andi %ne3A_421, %ne3A_424 : i1
      %sub3A_426 = arith.constant 1 : i32
      %sub3A_427 = arith.subi %div3A_406, %sub3A_426 : i32
      %select_n3A_428 = arith.select %and3A_425, %sub3A_427, %div3A_406 : i32
      %mul3A_429 = arith.constant 2 : i32
      %mul3A_430 = arith.muli %mul3A_429, %select_n3A_428 : i32
      %sub3A_431 = arith.subi %add3A_404, %mul3A_430 : i32
      %mul3A_432 = arith.constant 2 : i32
      %mul3A_433 = arith.muli %add3A, %mul3A_432 : i32
      %add3A_434 = arith.addi %mul3A_433, %sub3A_431 : i32
      %mul3A_435 = arith.constant 442368 : i32
      %mul3A_436 = arith.muli %add3A_434, %mul3A_435 : i32
      %mul3A_437 = arith.constant 18432 : i32
      %mul3A_438 = arith.muli %select_n3A_428, %mul3A_437 : i32
      %add3A_439 = arith.addi %mul3A_436, %mul3A_438 : i32
      %dma_start3A_440 = tpu.memref_slice %arg2[%add3A_439] : memref<28311552xf32, #tpu.memory_space<hbm>> -> memref<18432xf32, #tpu.memory_space<hbm>>
      %dma_start3A_441 = tpu.memref_slice %arg2[%add3A_439] : memref<28311552xf32, #tpu.memory_space<hbm>> -> memref<18432xf32, #tpu.memory_space<hbm>>
      tpu.enqueue_dma source(%dma_start3A_441 : memref<18432xf32, #tpu.memory_space<hbm>>) target(%arg8 : memref<18432xf32, #tpu.memory_space<vmem>>) target_semaphore(%arg14 : memref<!tpu.dma_semaphore, #tpu.memory_space<semaphore_mem>>)
      %mul3A_442 = arith.constant 4 : i32
      %mul3A_443 = arith.muli %mul3A_442, %scan3A_319 : i32
      %add3A_444 = arith.constant 1 : i32
      %add3A_445 = arith.addi %mul3A_443, %add3A_444 : i32
      %dma_wait3A_446 = arith.constant 0 : i32
      %dma_wait3A_447 = tpu.memref_slice %arg2[%dma_wait3A_446] : memref<28311552xf32, #tpu.memory_space<hbm>> -> memref<18432xf32, #tpu.memory_space<hbm>>
      %dma_wait3A_448 = arith.constant 0 : i32
      %dma_wait3A_449 = tpu.memref_slice %arg2[%dma_wait3A_448] : memref<28311552xf32, #tpu.memory_space<hbm>> -> memref<18432xf32, #tpu.memory_space<hbm>>
      tpu.wait_dma2 semaphore(%arg12 : memref<!tpu.dma_semaphore, #tpu.memory_space<semaphore_mem>>) src(%dma_wait3A_449 : memref<18432xf32, #tpu.memory_space<hbm>>) dst(%arg6 : memref<18432xf32, #tpu.memory_space<vmem>>)
      %scan3A_450 = arith.constant 0 : i32
      %scan3A_451 = arith.constant 0 : i32
      %scan3A_452 = arith.constant 144 : i32
      %scan3A_453 = arith.addi %scan3A_451, %scan3A_452 : i32
      %scan3A_454 = arith.constant 1 : i32
      scf.for %scan3A_760 = %scan3A_451 to %scan3A_453 step %scan3A_454  : i32 {
        %mul3A_761 = arith.constant 128 : i32
        %mul3A_762 = arith.muli %scan3A_760, %mul3A_761 : i32
        %add3A_763 = arith.constant 0 : i32
        %add3A_764 = arith.addi %mul3A_762, %add3A_763 : i32
        %get3A = arith.index_cast %add3A_764 : i32 to index
        %get3A_765 = tpu.vector_load %arg9[%get3A] {strides = array<i32>} : memref<18432xf32, #tpu.memory_space<vmem>>, vector<16xf32>,
        %get3A_766 = vector.shape_cast %get3A_765 : vector<16xf32> to vector<16xf32>
        %swap3A = arith.index_cast %add3A_764 : i32 to index
        %swap3A_767 = tpu.vector_load %arg6[%swap3A] {strides = array<i32>} : memref<18432xf32, #tpu.memory_space<vmem>>, vector<16xf32>,
        %swap3A_768 = vector.shape_cast %swap3A_767 : vector<16xf32> to vector<16xf32>
        %swap3A_769 = vector.shape_cast %get3A_766 : vector<16xf32> to vector<16xf32>
        tpu.vector_store %arg6[%swap3A], %swap3A_769 {add = true, strides = array<i32>} : memref<18432xf32, #tpu.memory_space<vmem>>, vector<16xf32>,
        %add3A_770 = arith.constant 16 : i32
        %add3A_771 = arith.addi %mul3A_762, %add3A_770 : i32
        %get3A_772 = arith.index_cast %add3A_771 : i32 to index
        %get3A_773 = tpu.vector_load %arg9[%get3A_772] {strides = array<i32>} : memref<18432xf32, #tpu.memory_space<vmem>>, vector<16xf32>,
        %get3A_774 = vector.shape_cast %get3A_773 : vector<16xf32> to vector<16xf32>
        %swap3A_775 = arith.index_cast %add3A_771 : i32 to index
        %swap3A_776 = tpu.vector_load %arg6[%swap3A_775] {strides = array<i32>} : memref<18432xf32, #tpu.memory_space<vmem>>, vector<16xf32>,
        %swap3A_777 = vector.shape_cast %swap3A_776 : vector<16xf32> to vector<16xf32>
        %swap3A_778 = vector.shape_cast %get3A_774 : vector<16xf32> to vector<16xf32>
        tpu.vector_store %arg6[%swap3A_775], %swap3A_778 {add = true, strides = array<i32>} : memref<18432xf32, #tpu.memory_space<vmem>>, vector<16xf32>,
        %add3A_779 = arith.constant 32 : i32
        %add3A_780 = arith.addi %mul3A_762, %add3A_779 : i32
        %get3A_781 = arith.index_cast %add3A_780 : i32 to index
        %get3A_782 = tpu.vector_load %arg9[%get3A_781] {strides = array<i32>} : memref<18432xf32, #tpu.memory_space<vmem>>, vector<16xf32>,
        %get3A_783 = vector.shape_cast %get3A_782 : vector<16xf32> to vector<16xf32>
        %swap3A_784 = arith.index_cast %add3A_780 : i32 to index
        %swap3A_785 = tpu.vector_load %arg6[%swap3A_784] {strides = array<i32>} : memref<18432xf32, #tpu.memory_space<vmem>>, vector<16xf32>,
        %swap3A_786 = vector.shape_cast %swap3A_785 : vector<16xf32> to vector<16xf32>
        %swap3A_787 = vector.shape_cast %get3A_783 : vector<16xf32> to vector<16xf32>
        tpu.vector_store %arg6[%swap3A_784], %swap3A_787 {add = true, strides = array<i32>} : memref<18432xf32, #tpu.memory_space<vmem>>, vector<16xf32>,
        %add3A_788 = arith.constant 48 : i32
        %add3A_789 = arith.addi %mul3A_762, %add3A_788 : i32
        %get3A_790 = arith.index_cast %add3A_789 : i32 to index
        %get3A_791 = tpu.vector_load %arg9[%get3A_790] {strides = array<i32>} : memref<18432xf32, #tpu.memory_space<vmem>>, vector<16xf32>,
        %get3A_792 = vector.shape_cast %get3A_791 : vector<16xf32> to vector<16xf32>
        %swap3A_793 = arith.index_cast %add3A_789 : i32 to index
        %swap3A_794 = tpu.vector_load %arg6[%swap3A_793] {strides = array<i32>} : memref<18432xf32, #tpu.memory_space<vmem>>, vector<16xf32>,
        %swap3A_795 = vector.shape_cast %swap3A_794 : vector<16xf32> to vector<16xf32>
        %swap3A_796 = vector.shape_cast %get3A_792 : vector<16xf32> to vector<16xf32>
        tpu.vector_store %arg6[%swap3A_793], %swap3A_796 {add = true, strides = array<i32>} : memref<18432xf32, #tpu.memory_space<vmem>>, vector<16xf32>,
        %add3A_797 = arith.constant 64 : i32
        %add3A_798 = arith.addi %mul3A_762, %add3A_797 : i32
        %get3A_799 = arith.index_cast %add3A_798 : i32 to index
        %get3A_800 = tpu.vector_load %arg9[%get3A_799] {strides = array<i32>} : memref<18432xf32, #tpu.memory_space<vmem>>, vector<16xf32>,
        %get3A_801 = vector.shape_cast %get3A_800 : vector<16xf32> to vector<16xf32>
        %swap3A_802 = arith.index_cast %add3A_798 : i32 to index
        %swap3A_803 = tpu.vector_load %arg6[%swap3A_802] {strides = array<i32>} : memref<18432xf32, #tpu.memory_space<vmem>>, vector<16xf32>,
        %swap3A_804 = vector.shape_cast %swap3A_803 : vector<16xf32> to vector<16xf32>
        %swap3A_805 = vector.shape_cast %get3A_801 : vector<16xf32> to vector<16xf32>
        tpu.vector_store %arg6[%swap3A_802], %swap3A_805 {add = true, strides = array<i32>} : memref<18432xf32, #tpu.memory_space<vmem>>, vector<16xf32>,
        %add3A_806 = arith.constant 80 : i32
        %add3A_807 = arith.addi %mul3A_762, %add3A_806 : i32
        %get3A_808 = arith.index_cast %add3A_807 : i32 to index
        %get3A_809 = tpu.vector_load %arg9[%get3A_808] {strides = array<i32>} : memref<18432xf32, #tpu.memory_space<vmem>>, vector<16xf32>,
        %get3A_810 = vector.shape_cast %get3A_809 : vector<16xf32> to vector<16xf32>
        %swap3A_811 = arith.index_cast %add3A_807 : i32 to index
        %swap3A_812 = tpu.vector_load %arg6[%swap3A_811] {strides = array<i32>} : memref<18432xf32, #tpu.memory_space<vmem>>, vector<16xf32>,
        %swap3A_813 = vector.shape_cast %swap3A_812 : vector<16xf32> to vector<16xf32>
        %swap3A_814 = vector.shape_cast %get3A_810 : vector<16xf32> to vector<16xf32>
        tpu.vector_store %arg6[%swap3A_811], %swap3A_814 {add = true, strides = array<i32>} : memref<18432xf32, #tpu.memory_space<vmem>>, vector<16xf32>,
        %add3A_815 = arith.constant 96 : i32
        %add3A_816 = arith.addi %mul3A_762, %add3A_815 : i32
        %get3A_817 = arith.index_cast %add3A_816 : i32 to index
        %get3A_818 = tpu.vector_load %arg9[%get3A_817] {strides = array<i32>} : memref<18432xf32, #tpu.memory_space<vmem>>, vector<16xf32>,
        %get3A_819 = vector.shape_cast %get3A_818 : vector<16xf32> to vector<16xf32>
        %swap3A_820 = arith.index_cast %add3A_816 : i32 to index
        %swap3A_821 = tpu.vector_load %arg6[%swap3A_820] {strides = array<i32>} : memref<18432xf32, #tpu.memory_space<vmem>>, vector<16xf32>,
        %swap3A_822 = vector.shape_cast %swap3A_821 : vector<16xf32> to vector<16xf32>
        %swap3A_823 = vector.shape_cast %get3A_819 : vector<16xf32> to vector<16xf32>
        tpu.vector_store %arg6[%swap3A_820], %swap3A_823 {add = true, strides = array<i32>} : memref<18432xf32, #tpu.memory_space<vmem>>, vector<16xf32>,
        %add3A_824 = arith.constant 112 : i32
        %add3A_825 = arith.addi %mul3A_762, %add3A_824 : i32
        %get3A_826 = arith.index_cast %add3A_825 : i32 to index
        %get3A_827 = tpu.vector_load %arg9[%get3A_826] {strides = array<i32>} : memref<18432xf32, #tpu.memory_space<vmem>>, vector<16xf32>,
        %get3A_828 = vector.shape_cast %get3A_827 : vector<16xf32> to vector<16xf32>
        %swap3A_829 = arith.index_cast %add3A_825 : i32 to index
        %swap3A_830 = tpu.vector_load %arg6[%swap3A_829] {strides = array<i32>} : memref<18432xf32, #tpu.memory_space<vmem>>, vector<16xf32>,
        %swap3A_831 = vector.shape_cast %swap3A_830 : vector<16xf32> to vector<16xf32>
        %swap3A_832 = vector.shape_cast %get3A_828 : vector<16xf32> to vector<16xf32>
        tpu.vector_store %arg6[%swap3A_829], %swap3A_832 {add = true, strides = array<i32>} : memref<18432xf32, #tpu.memory_space<vmem>>, vector<16xf32>,
      }
      %scan3A_455 = arith.constant 144 : i32
      %jit3A_456 = arith.constant 2 : i32
      %div3A_457 = arith.divsi %add3A_445, %jit3A_456 : i32
      %sign3A_458 = arith.constant 0 : i32
      %sign3A_459 = arith.cmpi sgt, %add3A_445, %sign3A_458 : i32
      %sign3A_460 = arith.extui %sign3A_459 : i1 to i32
      %sign3A_461 = arith.constant 0 : i32
      %sign3A_462 = arith.cmpi slt, %add3A_445, %sign3A_461 : i32
      %sign3A_463 = arith.extui %sign3A_462 : i1 to i32
      %sign3A_464 = arith.subi %sign3A_460, %sign3A_463 : i32
      %sign3A_465 = arith.constant 0 : i32
      %sign3A_466 = arith.cmpi sgt, %jit3A_456, %sign3A_465 : i32
      %sign3A_467 = arith.extui %sign3A_466 : i1 to i32
      %sign3A_468 = arith.constant 0 : i32
      %sign3A_469 = arith.cmpi slt, %jit3A_456, %sign3A_468 : i32
      %sign3A_470 = arith.extui %sign3A_469 : i1 to i32
      %sign3A_471 = arith.subi %sign3A_467, %sign3A_470 : i32
      %ne3A_472 = arith.cmpi ne, %sign3A_464, %sign3A_471 : i32
      %rem3A_473 = arith.remsi %add3A_445, %jit3A_456 : i32
      %ne3A_474 = arith.constant 0 : i32
      %ne3A_475 = arith.cmpi ne, %rem3A_473, %ne3A_474 : i32
      %and3A_476 = arith.andi %ne3A_472, %ne3A_475 : i1
      %sub3A_477 = arith.constant 1 : i32
      %sub3A_478 = arith.subi %div3A_457, %sub3A_477 : i32
      %select_n3A_479 = arith.select %and3A_476, %sub3A_478, %div3A_457 : i32
      %mul3A_480 = arith.constant 2 : i32
      %mul3A_481 = arith.muli %mul3A_480, %select_n3A_479 : i32
      %sub3A_482 = arith.subi %add3A_445, %mul3A_481 : i32
      %mul3A_483 = arith.constant 2 : i32
      %mul3A_484 = arith.muli %add3A, %mul3A_483 : i32
      %add3A_485 = arith.addi %mul3A_484, %sub3A_482 : i32
      %mul3A_486 = arith.constant 442368 : i32
      %mul3A_487 = arith.muli %add3A_485, %mul3A_486 : i32
      %mul3A_488 = arith.constant 18432 : i32
      %mul3A_489 = arith.muli %select_n3A_479, %mul3A_488 : i32
      %add3A_490 = arith.addi %mul3A_487, %mul3A_489 : i32
      %dma_start3A_491 = tpu.memref_slice %arg4[%add3A_490] : memref<28311552xf32, #tpu.memory_space<hbm>> -> memref<18432xf32, #tpu.memory_space<hbm>>
      %dma_start3A_492 = tpu.memref_slice %arg4[%add3A_490] : memref<28311552xf32, #tpu.memory_space<hbm>> -> memref<18432xf32, #tpu.memory_space<hbm>>
      tpu.enqueue_dma source(%arg6 : memref<18432xf32, #tpu.memory_space<vmem>>) target(%dma_start3A_492 : memref<18432xf32, #tpu.memory_space<hbm>>) target_semaphore(%arg16 : memref<!tpu.dma_semaphore, #tpu.memory_space<semaphore_mem>>)
      %dma_wait3A_493 = arith.constant 0 : i32
      %dma_wait3A_494 = tpu.memref_slice %arg4[%dma_wait3A_493] : memref<28311552xf32, #tpu.memory_space<hbm>> -> memref<18432xf32, #tpu.memory_space<hbm>>
      %dma_wait3A_495 = arith.constant 0 : i32
      %dma_wait3A_496 = tpu.memref_slice %arg4[%dma_wait3A_495] : memref<28311552xf32, #tpu.memory_space<hbm>> -> memref<18432xf32, #tpu.memory_space<hbm>>
      tpu.wait_dma2 semaphore(%arg15 : memref<!tpu.dma_semaphore, #tpu.memory_space<semaphore_mem>>) src(%arg5 : memref<18432xf32, #tpu.memory_space<vmem>>) dst(%dma_wait3A_496 : memref<18432xf32, #tpu.memory_space<hbm>>)
      %add3A_497 = arith.constant 3 : i32
      %add3A_498 = arith.addi %add3A_445, %add3A_497 : i32
      %jit3A_499 = arith.constant 2 : i32
      %div3A_500 = arith.divsi %add3A_498, %jit3A_499 : i32
      %sign3A_501 = arith.constant 0 : i32
      %sign3A_502 = arith.cmpi sgt, %add3A_498, %sign3A_501 : i32
      %sign3A_503 = arith.extui %sign3A_502 : i1 to i32
      %sign3A_504 = arith.constant 0 : i32
      %sign3A_505 = arith.cmpi slt, %add3A_498, %sign3A_504 : i32
      %sign3A_506 = arith.extui %sign3A_505 : i1 to i32
      %sign3A_507 = arith.subi %sign3A_503, %sign3A_506 : i32
      %sign3A_508 = arith.constant 0 : i32
      %sign3A_509 = arith.cmpi sgt, %jit3A_499, %sign3A_508 : i32
      %sign3A_510 = arith.extui %sign3A_509 : i1 to i32
      %sign3A_511 = arith.constant 0 : i32
      %sign3A_512 = arith.cmpi slt, %jit3A_499, %sign3A_511 : i32
      %sign3A_513 = arith.extui %sign3A_512 : i1 to i32
      %sign3A_514 = arith.subi %sign3A_510, %sign3A_513 : i32
      %ne3A_515 = arith.cmpi ne, %sign3A_507, %sign3A_514 : i32
      %rem3A_516 = arith.remsi %add3A_498, %jit3A_499 : i32
      %ne3A_517 = arith.constant 0 : i32
      %ne3A_518 = arith.cmpi ne, %rem3A_516, %ne3A_517 : i32
      %and3A_519 = arith.andi %ne3A_515, %ne3A_518 : i1
      %sub3A_520 = arith.constant 1 : i32
      %sub3A_521 = arith.subi %div3A_500, %sub3A_520 : i32
      %select_n3A_522 = arith.select %and3A_519, %sub3A_521, %div3A_500 : i32
      %mul3A_523 = arith.constant 2 : i32
      %mul3A_524 = arith.muli %mul3A_523, %select_n3A_522 : i32
      %sub3A_525 = arith.subi %add3A_498, %mul3A_524 : i32
      %mul3A_526 = arith.constant 2 : i32
      %mul3A_527 = arith.muli %add3A, %mul3A_526 : i32
      %add3A_528 = arith.addi %mul3A_527, %sub3A_525 : i32
      %mul3A_529 = arith.constant 442368 : i32
      %mul3A_530 = arith.muli %add3A_528, %mul3A_529 : i32
      %mul3A_531 = arith.constant 18432 : i32
      %mul3A_532 = arith.muli %select_n3A_522, %mul3A_531 : i32
      %add3A_533 = arith.addi %mul3A_530, %mul3A_532 : i32
      %dma_start3A_534 = tpu.memref_slice %arg2[%add3A_533] : memref<28311552xf32, #tpu.memory_space<hbm>> -> memref<18432xf32, #tpu.memory_space<hbm>>
      %dma_start3A_535 = tpu.memref_slice %arg2[%add3A_533] : memref<28311552xf32, #tpu.memory_space<hbm>> -> memref<18432xf32, #tpu.memory_space<hbm>>
      tpu.enqueue_dma source(%dma_start3A_535 : memref<18432xf32, #tpu.memory_space<hbm>>) target(%arg5 : memref<18432xf32, #tpu.memory_space<vmem>>) target_semaphore(%arg11 : memref<!tpu.dma_semaphore, #tpu.memory_space<semaphore_mem>>)
      %mul3A_536 = arith.constant 4 : i32
      %mul3A_537 = arith.muli %mul3A_536, %scan3A_319 : i32
      %add3A_538 = arith.constant 2 : i32
      %add3A_539 = arith.addi %mul3A_537, %add3A_538 : i32
      %dma_wait3A_540 = arith.constant 0 : i32
      %dma_wait3A_541 = tpu.memref_slice %arg3[%dma_wait3A_540] : memref<442368xf32, #tpu.memory_space<hbm>> -> memref<18432xf32, #tpu.memory_space<hbm>>
      %dma_wait3A_542 = arith.constant 0 : i32
      %dma_wait3A_543 = tpu.memref_slice %arg3[%dma_wait3A_542] : memref<442368xf32, #tpu.memory_space<hbm>> -> memref<18432xf32, #tpu.memory_space<hbm>>
      tpu.wait_dma2 semaphore(%arg20 : memref<!tpu.dma_semaphore, #tpu.memory_space<semaphore_mem>>) src(%dma_wait3A_543 : memref<18432xf32, #tpu.memory_space<hbm>>) dst(%arg10 : memref<18432xf32, #tpu.memory_space<vmem>>)
      %jit3A_544 = arith.constant 2 : i32
      %div3A_545 = arith.divsi %add3A_539, %jit3A_544 : i32
      %sign3A_546 = arith.constant 0 : i32
      %sign3A_547 = arith.cmpi sgt, %add3A_539, %sign3A_546 : i32
      %sign3A_548 = arith.extui %sign3A_547 : i1 to i32
      %sign3A_549 = arith.constant 0 : i32
      %sign3A_550 = arith.cmpi slt, %add3A_539, %sign3A_549 : i32
      %sign3A_551 = arith.extui %sign3A_550 : i1 to i32
      %sign3A_552 = arith.subi %sign3A_548, %sign3A_551 : i32
      %sign3A_553 = arith.constant 0 : i32
      %sign3A_554 = arith.cmpi sgt, %jit3A_544, %sign3A_553 : i32
      %sign3A_555 = arith.extui %sign3A_554 : i1 to i32
      %sign3A_556 = arith.constant 0 : i32
      %sign3A_557 = arith.cmpi slt, %jit3A_544, %sign3A_556 : i32
      %sign3A_558 = arith.extui %sign3A_557 : i1 to i32
      %sign3A_559 = arith.subi %sign3A_555, %sign3A_558 : i32
      %ne3A_560 = arith.cmpi ne, %sign3A_552, %sign3A_559 : i32
      %rem3A_561 = arith.remsi %add3A_539, %jit3A_544 : i32
      %ne3A_562 = arith.constant 0 : i32
      %ne3A_563 = arith.cmpi ne, %rem3A_561, %ne3A_562 : i32
      %and3A_564 = arith.andi %ne3A_560, %ne3A_563 : i1
      %sub3A_565 = arith.constant 1 : i32
      %sub3A_566 = arith.subi %div3A_545, %sub3A_565 : i32
      %select_n3A_567 = arith.select %and3A_564, %sub3A_566, %div3A_545 : i32
      %add3A_568 = arith.constant 1 : i32
      %add3A_569 = arith.addi %select_n3A_567, %add3A_568 : i32
      %min3A_570 = arith.constant 23 : i32
      %min3A_571 = arith.minsi %add3A_569, %min3A_570 : i32
      %mul3A_572 = arith.constant 18432 : i32
      %mul3A_573 = arith.muli %min3A_571, %mul3A_572 : i32
      %dma_start3A_574 = tpu.memref_slice %arg3[%mul3A_573] : memref<442368xf32, #tpu.memory_space<hbm>> -> memref<18432xf32, #tpu.memory_space<hbm>>
      %dma_start3A_575 = tpu.memref_slice %arg3[%mul3A_573] : memref<442368xf32, #tpu.memory_space<hbm>> -> memref<18432xf32, #tpu.memory_space<hbm>>
      tpu.enqueue_dma source(%dma_start3A_575 : memref<18432xf32, #tpu.memory_space<hbm>>) target(%arg9 : memref<18432xf32, #tpu.memory_space<vmem>>) target_semaphore(%arg19 : memref<!tpu.dma_semaphore, #tpu.memory_space<semaphore_mem>>)
      %dma_wait3A_576 = arith.constant 0 : i32
      %dma_wait3A_577 = tpu.memref_slice %arg2[%dma_wait3A_576] : memref<28311552xf32, #tpu.memory_space<hbm>> -> memref<18432xf32, #tpu.memory_space<hbm>>
      %dma_wait3A_578 = arith.constant 0 : i32
      %dma_wait3A_579 = tpu.memref_slice %arg2[%dma_wait3A_578] : memref<28311552xf32, #tpu.memory_space<hbm>> -> memref<18432xf32, #tpu.memory_space<hbm>>
      tpu.wait_dma2 semaphore(%arg13 : memref<!tpu.dma_semaphore, #tpu.memory_space<semaphore_mem>>) src(%dma_wait3A_579 : memref<18432xf32, #tpu.memory_space<hbm>>) dst(%arg7 : memref<18432xf32, #tpu.memory_space<vmem>>)
      %scan3A_580 = arith.constant 0 : i32
      %scan3A_581 = arith.constant 0 : i32
      %scan3A_582 = arith.constant 144 : i32
      %scan3A_583 = arith.addi %scan3A_581, %scan3A_582 : i32
      %scan3A_584 = arith.constant 1 : i32
      scf.for %scan3A_760 = %scan3A_581 to %scan3A_583 step %scan3A_584  : i32 {
        %mul3A_761 = arith.constant 128 : i32
        %mul3A_762 = arith.muli %scan3A_760, %mul3A_761 : i32
        %add3A_763 = arith.constant 0 : i32
        %add3A_764 = arith.addi %mul3A_762, %add3A_763 : i32
        %get3A = arith.index_cast %add3A_764 : i32 to index
        %get3A_765 = tpu.vector_load %arg10[%get3A] {strides = array<i32>} : memref<18432xf32, #tpu.memory_space<vmem>>, vector<16xf32>,
        %get3A_766 = vector.shape_cast %get3A_765 : vector<16xf32> to vector<16xf32>
        %swap3A = arith.index_cast %add3A_764 : i32 to index
        %swap3A_767 = tpu.vector_load %arg7[%swap3A] {strides = array<i32>} : memref<18432xf32, #tpu.memory_space<vmem>>, vector<16xf32>,
        %swap3A_768 = vector.shape_cast %swap3A_767 : vector<16xf32> to vector<16xf32>
        %swap3A_769 = vector.shape_cast %get3A_766 : vector<16xf32> to vector<16xf32>
        tpu.vector_store %arg7[%swap3A], %swap3A_769 {add = true, strides = array<i32>} : memref<18432xf32, #tpu.memory_space<vmem>>, vector<16xf32>,
        %add3A_770 = arith.constant 16 : i32
        %add3A_771 = arith.addi %mul3A_762, %add3A_770 : i32
        %get3A_772 = arith.index_cast %add3A_771 : i32 to index
        %get3A_773 = tpu.vector_load %arg10[%get3A_772] {strides = array<i32>} : memref<18432xf32, #tpu.memory_space<vmem>>, vector<16xf32>,
        %get3A_774 = vector.shape_cast %get3A_773 : vector<16xf32> to vector<16xf32>
        %swap3A_775 = arith.index_cast %add3A_771 : i32 to index
        %swap3A_776 = tpu.vector_load %arg7[%swap3A_775] {strides = array<i32>} : memref<18432xf32, #tpu.memory_space<vmem>>, vector<16xf32>,
        %swap3A_777 = vector.shape_cast %swap3A_776 : vector<16xf32> to vector<16xf32>
        %swap3A_778 = vector.shape_cast %get3A_774 : vector<16xf32> to vector<16xf32>
        tpu.vector_store %arg7[%swap3A_775], %swap3A_778 {add = true, strides = array<i32>} : memref<18432xf32, #tpu.memory_space<vmem>>, vector<16xf32>,
        %add3A_779 = arith.constant 32 : i32
        %add3A_780 = arith.addi %mul3A_762, %add3A_779 : i32
        %get3A_781 = arith.index_cast %add3A_780 : i32 to index
        %get3A_782 = tpu.vector_load %arg10[%get3A_781] {strides = array<i32>} : memref<18432xf32, #tpu.memory_space<vmem>>, vector<16xf32>,
        %get3A_783 = vector.shape_cast %get3A_782 : vector<16xf32> to vector<16xf32>
        %swap3A_784 = arith.index_cast %add3A_780 : i32 to index
        %swap3A_785 = tpu.vector_load %arg7[%swap3A_784] {strides = array<i32>} : memref<18432xf32, #tpu.memory_space<vmem>>, vector<16xf32>,
        %swap3A_786 = vector.shape_cast %swap3A_785 : vector<16xf32> to vector<16xf32>
        %swap3A_787 = vector.shape_cast %get3A_783 : vector<16xf32> to vector<16xf32>
        tpu.vector_store %arg7[%swap3A_784], %swap3A_787 {add = true, strides = array<i32>} : memref<18432xf32, #tpu.memory_space<vmem>>, vector<16xf32>,
        %add3A_788 = arith.constant 48 : i32
        %add3A_789 = arith.addi %mul3A_762, %add3A_788 : i32
        %get3A_790 = arith.index_cast %add3A_789 : i32 to index
        %get3A_791 = tpu.vector_load %arg10[%get3A_790] {strides = array<i32>} : memref<18432xf32, #tpu.memory_space<vmem>>, vector<16xf32>,
        %get3A_792 = vector.shape_cast %get3A_791 : vector<16xf32> to vector<16xf32>
        %swap3A_793 = arith.index_cast %add3A_789 : i32 to index
        %swap3A_794 = tpu.vector_load %arg7[%swap3A_793] {strides = array<i32>} : memref<18432xf32, #tpu.memory_space<vmem>>, vector<16xf32>,
        %swap3A_795 = vector.shape_cast %swap3A_794 : vector<16xf32> to vector<16xf32>
        %swap3A_796 = vector.shape_cast %get3A_792 : vector<16xf32> to vector<16xf32>
        tpu.vector_store %arg7[%swap3A_793], %swap3A_796 {add = true, strides = array<i32>} : memref<18432xf32, #tpu.memory_space<vmem>>, vector<16xf32>,
        %add3A_797 = arith.constant 64 : i32
        %add3A_798 = arith.addi %mul3A_762, %add3A_797 : i32
        %get3A_799 = arith.index_cast %add3A_798 : i32 to index
        %get3A_800 = tpu.vector_load %arg10[%get3A_799] {strides = array<i32>} : memref<18432xf32, #tpu.memory_space<vmem>>, vector<16xf32>,
        %get3A_801 = vector.shape_cast %get3A_800 : vector<16xf32> to vector<16xf32>
        %swap3A_802 = arith.index_cast %add3A_798 : i32 to index
        %swap3A_803 = tpu.vector_load %arg7[%swap3A_802] {strides = array<i32>} : memref<18432xf32, #tpu.memory_space<vmem>>, vector<16xf32>,
        %swap3A_804 = vector.shape_cast %swap3A_803 : vector<16xf32> to vector<16xf32>
        %swap3A_805 = vector.shape_cast %get3A_801 : vector<16xf32> to vector<16xf32>
        tpu.vector_store %arg7[%swap3A_802], %swap3A_805 {add = true, strides = array<i32>} : memref<18432xf32, #tpu.memory_space<vmem>>, vector<16xf32>,
        %add3A_806 = arith.constant 80 : i32
        %add3A_807 = arith.addi %mul3A_762, %add3A_806 : i32
        %get3A_808 = arith.index_cast %add3A_807 : i32 to index
        %get3A_809 = tpu.vector_load %arg10[%get3A_808] {strides = array<i32>} : memref<18432xf32, #tpu.memory_space<vmem>>, vector<16xf32>,
        %get3A_810 = vector.shape_cast %get3A_809 : vector<16xf32> to vector<16xf32>
        %swap3A_811 = arith.index_cast %add3A_807 : i32 to index
        %swap3A_812 = tpu.vector_load %arg7[%swap3A_811] {strides = array<i32>} : memref<18432xf32, #tpu.memory_space<vmem>>, vector<16xf32>,
        %swap3A_813 = vector.shape_cast %swap3A_812 : vector<16xf32> to vector<16xf32>
        %swap3A_814 = vector.shape_cast %get3A_810 : vector<16xf32> to vector<16xf32>
        tpu.vector_store %arg7[%swap3A_811], %swap3A_814 {add = true, strides = array<i32>} : memref<18432xf32, #tpu.memory_space<vmem>>, vector<16xf32>,
        %add3A_815 = arith.constant 96 : i32
        %add3A_816 = arith.addi %mul3A_762, %add3A_815 : i32
        %get3A_817 = arith.index_cast %add3A_816 : i32 to index
        %get3A_818 = tpu.vector_load %arg10[%get3A_817] {strides = array<i32>} : memref<18432xf32, #tpu.memory_space<vmem>>, vector<16xf32>,
        %get3A_819 = vector.shape_cast %get3A_818 : vector<16xf32> to vector<16xf32>
        %swap3A_820 = arith.index_cast %add3A_816 : i32 to index
        %swap3A_821 = tpu.vector_load %arg7[%swap3A_820] {strides = array<i32>} : memref<18432xf32, #tpu.memory_space<vmem>>, vector<16xf32>,
        %swap3A_822 = vector.shape_cast %swap3A_821 : vector<16xf32> to vector<16xf32>
        %swap3A_823 = vector.shape_cast %get3A_819 : vector<16xf32> to vector<16xf32>
        tpu.vector_store %arg7[%swap3A_820], %swap3A_823 {add = true, strides = array<i32>} : memref<18432xf32, #tpu.memory_space<vmem>>, vector<16xf32>,
        %add3A_824 = arith.constant 112 : i32
        %add3A_825 = arith.addi %mul3A_762, %add3A_824 : i32
        %get3A_826 = arith.index_cast %add3A_825 : i32 to index
        %get3A_827 = tpu.vector_load %arg10[%get3A_826] {strides = array<i32>} : memref<18432xf32, #tpu.memory_space<vmem>>, vector<16xf32>,
        %get3A_828 = vector.shape_cast %get3A_827 : vector<16xf32> to vector<16xf32>
        %swap3A_829 = arith.index_cast %add3A_825 : i32 to index
        %swap3A_830 = tpu.vector_load %arg7[%swap3A_829] {strides = array<i32>} : memref<18432xf32, #tpu.memory_space<vmem>>, vector<16xf32>,
        %swap3A_831 = vector.shape_cast %swap3A_830 : vector<16xf32> to vector<16xf32>
        %swap3A_832 = vector.shape_cast %get3A_828 : vector<16xf32> to vector<16xf32>
        tpu.vector_store %arg7[%swap3A_829], %swap3A_832 {add = true, strides = array<i32>} : memref<18432xf32, #tpu.memory_space<vmem>>, vector<16xf32>,
      }
      %scan3A_585 = arith.constant 144 : i32
      %jit3A_586 = arith.constant 2 : i32
      %div3A_587 = arith.divsi %add3A_539, %jit3A_586 : i32
      %sign3A_588 = arith.constant 0 : i32
      %sign3A_589 = arith.cmpi sgt, %add3A_539, %sign3A_588 : i32
      %sign3A_590 = arith.extui %sign3A_589 : i1 to i32
      %sign3A_591 = arith.constant 0 : i32
      %sign3A_592 = arith.cmpi slt, %add3A_539, %sign3A_591 : i32
      %sign3A_593 = arith.extui %sign3A_592 : i1 to i32
      %sign3A_594 = arith.subi %sign3A_590, %sign3A_593 : i32
      %sign3A_595 = arith.constant 0 : i32
      %sign3A_596 = arith.cmpi sgt, %jit3A_586, %sign3A_595 : i32
      %sign3A_597 = arith.extui %sign3A_596 : i1 to i32
      %sign3A_598 = arith.constant 0 : i32
      %sign3A_599 = arith.cmpi slt, %jit3A_586, %sign3A_598 : i32
      %sign3A_600 = arith.extui %sign3A_599 : i1 to i32
      %sign3A_601 = arith.subi %sign3A_597, %sign3A_600 : i32
      %ne3A_602 = arith.cmpi ne, %sign3A_594, %sign3A_601 : i32
      %rem3A_603 = arith.remsi %add3A_539, %jit3A_586 : i32
      %ne3A_604 = arith.constant 0 : i32
      %ne3A_605 = arith.cmpi ne, %rem3A_603, %ne3A_604 : i32
      %and3A_606 = arith.andi %ne3A_602, %ne3A_605 : i1
      %sub3A_607 = arith.constant 1 : i32
      %sub3A_608 = arith.subi %div3A_587, %sub3A_607 : i32
      %select_n3A_609 = arith.select %and3A_606, %sub3A_608, %div3A_587 : i32
      %mul3A_610 = arith.constant 2 : i32
      %mul3A_611 = arith.muli %mul3A_610, %select_n3A_609 : i32
      %sub3A_612 = arith.subi %add3A_539, %mul3A_611 : i32
      %mul3A_613 = arith.constant 2 : i32
      %mul3A_614 = arith.muli %add3A, %mul3A_613 : i32
      %add3A_615 = arith.addi %mul3A_614, %sub3A_612 : i32
      %mul3A_616 = arith.constant 442368 : i32
      %mul3A_617 = arith.muli %add3A_615, %mul3A_616 : i32
      %mul3A_618 = arith.constant 18432 : i32
      %mul3A_619 = arith.muli %select_n3A_609, %mul3A_618 : i32
      %add3A_620 = arith.addi %mul3A_617, %mul3A_619 : i32
      %dma_start3A_621 = tpu.memref_slice %arg4[%add3A_620] : memref<28311552xf32, #tpu.memory_space<hbm>> -> memref<18432xf32, #tpu.memory_space<hbm>>
      %dma_start3A_622 = tpu.memref_slice %arg4[%add3A_620] : memref<28311552xf32, #tpu.memory_space<hbm>> -> memref<18432xf32, #tpu.memory_space<hbm>>
      tpu.enqueue_dma source(%arg7 : memref<18432xf32, #tpu.memory_space<vmem>>) target(%dma_start3A_622 : memref<18432xf32, #tpu.memory_space<hbm>>) target_semaphore(%arg17 : memref<!tpu.dma_semaphore, #tpu.memory_space<semaphore_mem>>)
      %dma_wait3A_623 = arith.constant 0 : i32
      %dma_wait3A_624 = tpu.memref_slice %arg4[%dma_wait3A_623] : memref<28311552xf32, #tpu.memory_space<hbm>> -> memref<18432xf32, #tpu.memory_space<hbm>>
      %dma_wait3A_625 = arith.constant 0 : i32
      %dma_wait3A_626 = tpu.memref_slice %arg4[%dma_wait3A_625] : memref<28311552xf32, #tpu.memory_space<hbm>> -> memref<18432xf32, #tpu.memory_space<hbm>>
      tpu.wait_dma2 semaphore(%arg16 : memref<!tpu.dma_semaphore, #tpu.memory_space<semaphore_mem>>) src(%arg6 : memref<18432xf32, #tpu.memory_space<vmem>>) dst(%dma_wait3A_626 : memref<18432xf32, #tpu.memory_space<hbm>>)
      %add3A_627 = arith.constant 3 : i32
      %add3A_628 = arith.addi %add3A_539, %add3A_627 : i32
      %jit3A_629 = arith.constant 2 : i32
      %div3A_630 = arith.divsi %add3A_628, %jit3A_629 : i32
      %sign3A_631 = arith.constant 0 : i32
      %sign3A_632 = arith.cmpi sgt, %add3A_628, %sign3A_631 : i32
      %sign3A_633 = arith.extui %sign3A_632 : i1 to i32
      %sign3A_634 = arith.constant 0 : i32
      %sign3A_635 = arith.cmpi slt, %add3A_628, %sign3A_634 : i32
      %sign3A_636 = arith.extui %sign3A_635 : i1 to i32
      %sign3A_637 = arith.subi %sign3A_633, %sign3A_636 : i32
      %sign3A_638 = arith.constant 0 : i32
      %sign3A_639 = arith.cmpi sgt, %jit3A_629, %sign3A_638 : i32
      %sign3A_640 = arith.extui %sign3A_639 : i1 to i32
      %sign3A_641 = arith.constant 0 : i32
      %sign3A_642 = arith.cmpi slt, %jit3A_629, %sign3A_641 : i32
      %sign3A_643 = arith.extui %sign3A_642 : i1 to i32
      %sign3A_644 = arith.subi %sign3A_640, %sign3A_643 : i32
      %ne3A_645 = arith.cmpi ne, %sign3A_637, %sign3A_644 : i32
      %rem3A_646 = arith.remsi %add3A_628, %jit3A_629 : i32
      %ne3A_647 = arith.constant 0 : i32
      %ne3A_648 = arith.cmpi ne, %rem3A_646, %ne3A_647 : i32
      %and3A_649 = arith.andi %ne3A_645, %ne3A_648 : i1
      %sub3A_650 = arith.constant 1 : i32
      %sub3A_651 = arith.subi %div3A_630, %sub3A_650 : i32
      %select_n3A_652 = arith.select %and3A_649, %sub3A_651, %div3A_630 : i32
      %mul3A_653 = arith.constant 2 : i32
      %mul3A_654 = arith.muli %mul3A_653, %select_n3A_652 : i32
      %sub3A_655 = arith.subi %add3A_628, %mul3A_654 : i32
      %mul3A_656 = arith.constant 2 : i32
      %mul3A_657 = arith.muli %add3A, %mul3A_656 : i32
      %add3A_658 = arith.addi %mul3A_657, %sub3A_655 : i32
      %mul3A_659 = arith.constant 442368 : i32
      %mul3A_660 = arith.muli %add3A_658, %mul3A_659 : i32
      %mul3A_661 = arith.constant 18432 : i32
      %mul3A_662 = arith.muli %select_n3A_652, %mul3A_661 : i32
      %add3A_663 = arith.addi %mul3A_660, %mul3A_662 : i32
      %dma_start3A_664 = tpu.memref_slice %arg2[%add3A_663] : memref<28311552xf32, #tpu.memory_space<hbm>> -> memref<18432xf32, #tpu.memory_space<hbm>>
      %dma_start3A_665 = tpu.memref_slice %arg2[%add3A_663] : memref<28311552xf32, #tpu.memory_space<hbm>> -> memref<18432xf32, #tpu.memory_space<hbm>>
      tpu.enqueue_dma source(%dma_start3A_665 : memref<18432xf32, #tpu.memory_space<hbm>>) target(%arg6 : memref<18432xf32, #tpu.memory_space<vmem>>) target_semaphore(%arg12 : memref<!tpu.dma_semaphore, #tpu.memory_space<semaphore_mem>>)
      %mul3A_666 = arith.constant 4 : i32
      %mul3A_667 = arith.muli %mul3A_666, %scan3A_319 : i32
      %add3A_668 = arith.constant 3 : i32
      %add3A_669 = arith.addi %mul3A_667, %add3A_668 : i32
      %dma_wait3A_670 = arith.constant 0 : i32
      %dma_wait3A_671 = tpu.memref_slice %arg2[%dma_wait3A_670] : memref<28311552xf32, #tpu.memory_space<hbm>> -> memref<18432xf32, #tpu.memory_space<hbm>>
      %dma_wait3A_672 = arith.constant 0 : i32
      %dma_wait3A_673 = tpu.memref_slice %arg2[%dma_wait3A_672] : memref<28311552xf32, #tpu.memory_space<hbm>> -> memref<18432xf32, #tpu.memory_space<hbm>>
      tpu.wait_dma2 semaphore(%arg14 : memref<!tpu.dma_semaphore, #tpu.memory_space<semaphore_mem>>) src(%dma_wait3A_673 : memref<18432xf32, #tpu.memory_space<hbm>>) dst(%arg8 : memref<18432xf32, #tpu.memory_space<vmem>>)
      %scan3A_674 = arith.constant 0 : i32
      %scan3A_675 = arith.constant 0 : i32
      %scan3A_676 = arith.constant 144 : i32
      %scan3A_677 = arith.addi %scan3A_675, %scan3A_676 : i32
      %scan3A_678 = arith.constant 1 : i32
      scf.for %scan3A_760 = %scan3A_675 to %scan3A_677 step %scan3A_678  : i32 {
        %mul3A_761 = arith.constant 128 : i32
        %mul3A_762 = arith.muli %scan3A_760, %mul3A_761 : i32
        %add3A_763 = arith.constant 0 : i32
        %add3A_764 = arith.addi %mul3A_762, %add3A_763 : i32
        %get3A = arith.index_cast %add3A_764 : i32 to index
        %get3A_765 = tpu.vector_load %arg10[%get3A] {strides = array<i32>} : memref<18432xf32, #tpu.memory_space<vmem>>, vector<16xf32>,
        %get3A_766 = vector.shape_cast %get3A_765 : vector<16xf32> to vector<16xf32>
        %swap3A = arith.index_cast %add3A_764 : i32 to index
        %swap3A_767 = tpu.vector_load %arg8[%swap3A] {strides = array<i32>} : memref<18432xf32, #tpu.memory_space<vmem>>, vector<16xf32>,
        %swap3A_768 = vector.shape_cast %swap3A_767 : vector<16xf32> to vector<16xf32>
        %swap3A_769 = vector.shape_cast %get3A_766 : vector<16xf32> to vector<16xf32>
        tpu.vector_store %arg8[%swap3A], %swap3A_769 {add = true, strides = array<i32>} : memref<18432xf32, #tpu.memory_space<vmem>>, vector<16xf32>,
        %add3A_770 = arith.constant 16 : i32
        %add3A_771 = arith.addi %mul3A_762, %add3A_770 : i32
        %get3A_772 = arith.index_cast %add3A_771 : i32 to index
        %get3A_773 = tpu.vector_load %arg10[%get3A_772] {strides = array<i32>} : memref<18432xf32, #tpu.memory_space<vmem>>, vector<16xf32>,
        %get3A_774 = vector.shape_cast %get3A_773 : vector<16xf32> to vector<16xf32>
        %swap3A_775 = arith.index_cast %add3A_771 : i32 to index
        %swap3A_776 = tpu.vector_load %arg8[%swap3A_775] {strides = array<i32>} : memref<18432xf32, #tpu.memory_space<vmem>>, vector<16xf32>,
        %swap3A_777 = vector.shape_cast %swap3A_776 : vector<16xf32> to vector<16xf32>
        %swap3A_778 = vector.shape_cast %get3A_774 : vector<16xf32> to vector<16xf32>
        tpu.vector_store %arg8[%swap3A_775], %swap3A_778 {add = true, strides = array<i32>} : memref<18432xf32, #tpu.memory_space<vmem>>, vector<16xf32>,
        %add3A_779 = arith.constant 32 : i32
        %add3A_780 = arith.addi %mul3A_762, %add3A_779 : i32
        %get3A_781 = arith.index_cast %add3A_780 : i32 to index
        %get3A_782 = tpu.vector_load %arg10[%get3A_781] {strides = array<i32>} : memref<18432xf32, #tpu.memory_space<vmem>>, vector<16xf32>,
        %get3A_783 = vector.shape_cast %get3A_782 : vector<16xf32> to vector<16xf32>
        %swap3A_784 = arith.index_cast %add3A_780 : i32 to index
        %swap3A_785 = tpu.vector_load %arg8[%swap3A_784] {strides = array<i32>} : memref<18432xf32, #tpu.memory_space<vmem>>, vector<16xf32>,
        %swap3A_786 = vector.shape_cast %swap3A_785 : vector<16xf32> to vector<16xf32>
        %swap3A_787 = vector.shape_cast %get3A_783 : vector<16xf32> to vector<16xf32>
        tpu.vector_store %arg8[%swap3A_784], %swap3A_787 {add = true, strides = array<i32>} : memref<18432xf32, #tpu.memory_space<vmem>>, vector<16xf32>,
        %add3A_788 = arith.constant 48 : i32
        %add3A_789 = arith.addi %mul3A_762, %add3A_788 : i32
        %get3A_790 = arith.index_cast %add3A_789 : i32 to index
        %get3A_791 = tpu.vector_load %arg10[%get3A_790] {strides = array<i32>} : memref<18432xf32, #tpu.memory_space<vmem>>, vector<16xf32>,
        %get3A_792 = vector.shape_cast %get3A_791 : vector<16xf32> to vector<16xf32>
        %swap3A_793 = arith.index_cast %add3A_789 : i32 to index
        %swap3A_794 = tpu.vector_load %arg8[%swap3A_793] {strides = array<i32>} : memref<18432xf32, #tpu.memory_space<vmem>>, vector<16xf32>,
        %swap3A_795 = vector.shape_cast %swap3A_794 : vector<16xf32> to vector<16xf32>
        %swap3A_796 = vector.shape_cast %get3A_792 : vector<16xf32> to vector<16xf32>
        tpu.vector_store %arg8[%swap3A_793], %swap3A_796 {add = true, strides = array<i32>} : memref<18432xf32, #tpu.memory_space<vmem>>, vector<16xf32>,
        %add3A_797 = arith.constant 64 : i32
        %add3A_798 = arith.addi %mul3A_762, %add3A_797 : i32
        %get3A_799 = arith.index_cast %add3A_798 : i32 to index
        %get3A_800 = tpu.vector_load %arg10[%get3A_799] {strides = array<i32>} : memref<18432xf32, #tpu.memory_space<vmem>>, vector<16xf32>,
        %get3A_801 = vector.shape_cast %get3A_800 : vector<16xf32> to vector<16xf32>
        %swap3A_802 = arith.index_cast %add3A_798 : i32 to index
        %swap3A_803 = tpu.vector_load %arg8[%swap3A_802] {strides = array<i32>} : memref<18432xf32, #tpu.memory_space<vmem>>, vector<16xf32>,
        %swap3A_804 = vector.shape_cast %swap3A_803 : vector<16xf32> to vector<16xf32>
        %swap3A_805 = vector.shape_cast %get3A_801 : vector<16xf32> to vector<16xf32>
        tpu.vector_store %arg8[%swap3A_802], %swap3A_805 {add = true, strides = array<i32>} : memref<18432xf32, #tpu.memory_space<vmem>>, vector<16xf32>,
        %add3A_806 = arith.constant 80 : i32
        %add3A_807 = arith.addi %mul3A_762, %add3A_806 : i32
        %get3A_808 = arith.index_cast %add3A_807 : i32 to index
        %get3A_809 = tpu.vector_load %arg10[%get3A_808] {strides = array<i32>} : memref<18432xf32, #tpu.memory_space<vmem>>, vector<16xf32>,
        %get3A_810 = vector.shape_cast %get3A_809 : vector<16xf32> to vector<16xf32>
        %swap3A_811 = arith.index_cast %add3A_807 : i32 to index
        %swap3A_812 = tpu.vector_load %arg8[%swap3A_811] {strides = array<i32>} : memref<18432xf32, #tpu.memory_space<vmem>>, vector<16xf32>,
        %swap3A_813 = vector.shape_cast %swap3A_812 : vector<16xf32> to vector<16xf32>
        %swap3A_814 = vector.shape_cast %get3A_810 : vector<16xf32> to vector<16xf32>
        tpu.vector_store %arg8[%swap3A_811], %swap3A_814 {add = true, strides = array<i32>} : memref<18432xf32, #tpu.memory_space<vmem>>, vector<16xf32>,
        %add3A_815 = arith.constant 96 : i32
        %add3A_816 = arith.addi %mul3A_762, %add3A_815 : i32
        %get3A_817 = arith.index_cast %add3A_816 : i32 to index
        %get3A_818 = tpu.vector_load %arg10[%get3A_817] {strides = array<i32>} : memref<18432xf32, #tpu.memory_space<vmem>>, vector<16xf32>,
        %get3A_819 = vector.shape_cast %get3A_818 : vector<16xf32> to vector<16xf32>
        %swap3A_820 = arith.index_cast %add3A_816 : i32 to index
        %swap3A_821 = tpu.vector_load %arg8[%swap3A_820] {strides = array<i32>} : memref<18432xf32, #tpu.memory_space<vmem>>, vector<16xf32>,
        %swap3A_822 = vector.shape_cast %swap3A_821 : vector<16xf32> to vector<16xf32>
        %swap3A_823 = vector.shape_cast %get3A_819 : vector<16xf32> to vector<16xf32>
        tpu.vector_store %arg8[%swap3A_820], %swap3A_823 {add = true, strides = array<i32>} : memref<18432xf32, #tpu.memory_space<vmem>>, vector<16xf32>,
        %add3A_824 = arith.constant 112 : i32
        %add3A_825 = arith.addi %mul3A_762, %add3A_824 : i32
        %get3A_826 = arith.index_cast %add3A_825 : i32 to index
        %get3A_827 = tpu.vector_load %arg10[%get3A_826] {strides = array<i32>} : memref<18432xf32, #tpu.memory_space<vmem>>, vector<16xf32>,
        %get3A_828 = vector.shape_cast %get3A_827 : vector<16xf32> to vector<16xf32>
        %swap3A_829 = arith.index_cast %add3A_825 : i32 to index
        %swap3A_830 = tpu.vector_load %arg8[%swap3A_829] {strides = array<i32>} : memref<18432xf32, #tpu.memory_space<vmem>>, vector<16xf32>,
        %swap3A_831 = vector.shape_cast %swap3A_830 : vector<16xf32> to vector<16xf32>
        %swap3A_832 = vector.shape_cast %get3A_828 : vector<16xf32> to vector<16xf32>
        tpu.vector_store %arg8[%swap3A_829], %swap3A_832 {add = true, strides = array<i32>} : memref<18432xf32, #tpu.memory_space<vmem>>, vector<16xf32>,
      }
      %scan3A_679 = arith.constant 144 : i32
      %jit3A_680 = arith.constant 2 : i32
      %div3A_681 = arith.divsi %add3A_669, %jit3A_680 : i32
      %sign3A_682 = arith.constant 0 : i32
      %sign3A_683 = arith.cmpi sgt, %add3A_669, %sign3A_682 : i32
      %sign3A_684 = arith.extui %sign3A_683 : i1 to i32
      %sign3A_685 = arith.constant 0 : i32
      %sign3A_686 = arith.cmpi slt, %add3A_669, %sign3A_685 : i32
      %sign3A_687 = arith.extui %sign3A_686 : i1 to i32
      %sign3A_688 = arith.subi %sign3A_684, %sign3A_687 : i32
      %sign3A_689 = arith.constant 0 : i32
      %sign3A_690 = arith.cmpi sgt, %jit3A_680, %sign3A_689 : i32
      %sign3A_691 = arith.extui %sign3A_690 : i1 to i32
      %sign3A_692 = arith.constant 0 : i32
      %sign3A_693 = arith.cmpi slt, %jit3A_680, %sign3A_692 : i32
      %sign3A_694 = arith.extui %sign3A_693 : i1 to i32
      %sign3A_695 = arith.subi %sign3A_691, %sign3A_694 : i32
      %ne3A_696 = arith.cmpi ne, %sign3A_688, %sign3A_695 : i32
      %rem3A_697 = arith.remsi %add3A_669, %jit3A_680 : i32
      %ne3A_698 = arith.constant 0 : i32
      %ne3A_699 = arith.cmpi ne, %rem3A_697, %ne3A_698 : i32
      %and3A_700 = arith.andi %ne3A_696, %ne3A_699 : i1
      %sub3A_701 = arith.constant 1 : i32
      %sub3A_702 = arith.subi %div3A_681, %sub3A_701 : i32
      %select_n3A_703 = arith.select %and3A_700, %sub3A_702, %div3A_681 : i32
      %mul3A_704 = arith.constant 2 : i32
      %mul3A_705 = arith.muli %mul3A_704, %select_n3A_703 : i32
      %sub3A_706 = arith.subi %add3A_669, %mul3A_705 : i32
      %mul3A_707 = arith.constant 2 : i32
      %mul3A_708 = arith.muli %add3A, %mul3A_707 : i32
      %add3A_709 = arith.addi %mul3A_708, %sub3A_706 : i32
      %mul3A_710 = arith.constant 442368 : i32
      %mul3A_711 = arith.muli %add3A_709, %mul3A_710 : i32
      %mul3A_712 = arith.constant 18432 : i32
      %mul3A_713 = arith.muli %select_n3A_703, %mul3A_712 : i32
      %add3A_714 = arith.addi %mul3A_711, %mul3A_713 : i32
      %dma_start3A_715 = tpu.memref_slice %arg4[%add3A_714] : memref<28311552xf32, #tpu.memory_space<hbm>> -> memref<18432xf32, #tpu.memory_space<hbm>>
      %dma_start3A_716 = tpu.memref_slice %arg4[%add3A_714] : memref<28311552xf32, #tpu.memory_space<hbm>> -> memref<18432xf32, #tpu.memory_space<hbm>>
      tpu.enqueue_dma source(%arg8 : memref<18432xf32, #tpu.memory_space<vmem>>) target(%dma_start3A_716 : memref<18432xf32, #tpu.memory_space<hbm>>) target_semaphore(%arg18 : memref<!tpu.dma_semaphore, #tpu.memory_space<semaphore_mem>>)
      %dma_wait3A_717 = arith.constant 0 : i32
      %dma_wait3A_718 = tpu.memref_slice %arg4[%dma_wait3A_717] : memref<28311552xf32, #tpu.memory_space<hbm>> -> memref<18432xf32, #tpu.memory_space<hbm>>
      %dma_wait3A_719 = arith.constant 0 : i32
      %dma_wait3A_720 = tpu.memref_slice %arg4[%dma_wait3A_719] : memref<28311552xf32, #tpu.memory_space<hbm>> -> memref<18432xf32, #tpu.memory_space<hbm>>
      tpu.wait_dma2 semaphore(%arg17 : memref<!tpu.dma_semaphore, #tpu.memory_space<semaphore_mem>>) src(%arg7 : memref<18432xf32, #tpu.memory_space<vmem>>) dst(%dma_wait3A_720 : memref<18432xf32, #tpu.memory_space<hbm>>)
      %add3A_721 = arith.constant 3 : i32
      %add3A_722 = arith.addi %add3A_669, %add3A_721 : i32
      %jit3A_723 = arith.constant 2 : i32
      %div3A_724 = arith.divsi %add3A_722, %jit3A_723 : i32
      %sign3A_725 = arith.constant 0 : i32
      %sign3A_726 = arith.cmpi sgt, %add3A_722, %sign3A_725 : i32
      %sign3A_727 = arith.extui %sign3A_726 : i1 to i32
      %sign3A_728 = arith.constant 0 : i32
      %sign3A_729 = arith.cmpi slt, %add3A_722, %sign3A_728 : i32
      %sign3A_730 = arith.extui %sign3A_729 : i1 to i32
      %sign3A_731 = arith.subi %sign3A_727, %sign3A_730 : i32
      %sign3A_732 = arith.constant 0 : i32
      %sign3A_733 = arith.cmpi sgt, %jit3A_723, %sign3A_732 : i32
      %sign3A_734 = arith.extui %sign3A_733 : i1 to i32
      %sign3A_735 = arith.constant 0 : i32
      %sign3A_736 = arith.cmpi slt, %jit3A_723, %sign3A_735 : i32
      %sign3A_737 = arith.extui %sign3A_736 : i1 to i32
      %sign3A_738 = arith.subi %sign3A_734, %sign3A_737 : i32
      %ne3A_739 = arith.cmpi ne, %sign3A_731, %sign3A_738 : i32
      %rem3A_740 = arith.remsi %add3A_722, %jit3A_723 : i32
      %ne3A_741 = arith.constant 0 : i32
      %ne3A_742 = arith.cmpi ne, %rem3A_740, %ne3A_741 : i32
      %and3A_743 = arith.andi %ne3A_739, %ne3A_742 : i1
      %sub3A_744 = arith.constant 1 : i32
      %sub3A_745 = arith.subi %div3A_724, %sub3A_744 : i32
      %select_n3A_746 = arith.select %and3A_743, %sub3A_745, %div3A_724 : i32
      %mul3A_747 = arith.constant 2 : i32
      %mul3A_748 = arith.muli %mul3A_747, %select_n3A_746 : i32
      %sub3A_749 = arith.subi %add3A_722, %mul3A_748 : i32
      %mul3A_750 = arith.constant 2 : i32
      %mul3A_751 = arith.muli %add3A, %mul3A_750 : i32
      %add3A_752 = arith.addi %mul3A_751, %sub3A_749 : i32
      %mul3A_753 = arith.constant 442368 : i32
      %mul3A_754 = arith.muli %add3A_752, %mul3A_753 : i32
      %mul3A_755 = arith.constant 18432 : i32
      %mul3A_756 = arith.muli %select_n3A_746, %mul3A_755 : i32
      %add3A_757 = arith.addi %mul3A_754, %mul3A_756 : i32
      %dma_start3A_758 = tpu.memref_slice %arg2[%add3A_757] : memref<28311552xf32, #tpu.memory_space<hbm>> -> memref<18432xf32, #tpu.memory_space<hbm>>
      %dma_start3A_759 = tpu.memref_slice %arg2[%add3A_757] : memref<28311552xf32, #tpu.memory_space<hbm>> -> memref<18432xf32, #tpu.memory_space<hbm>>
      tpu.enqueue_dma source(%dma_start3A_759 : memref<18432xf32, #tpu.memory_space<hbm>>) target(%arg7 : memref<18432xf32, #tpu.memory_space<vmem>>) target_semaphore(%arg13 : memref<!tpu.dma_semaphore, #tpu.memory_space<semaphore_mem>>)
    }
    %scan3A_193 = arith.constant 10 : i32
    %dma_wait3A_194 = arith.constant 0 : i32
    %dma_wait3A_195 = tpu.memref_slice %arg3[%dma_wait3A_194] : memref<442368xf32, #tpu.memory_space<hbm>> -> memref<18432xf32, #tpu.memory_space<hbm>>
    %dma_wait3A_196 = arith.constant 0 : i32
    %dma_wait3A_197 = tpu.memref_slice %arg3[%dma_wait3A_196] : memref<442368xf32, #tpu.memory_space<hbm>> -> memref<18432xf32, #tpu.memory_space<hbm>>
    tpu.wait_dma2 semaphore(%arg19 : memref<!tpu.dma_semaphore, #tpu.memory_space<semaphore_mem>>) src(%dma_wait3A_197 : memref<18432xf32, #tpu.memory_space<hbm>>) dst(%arg9 : memref<18432xf32, #tpu.memory_space<vmem>>)
    %min3A_198 = arith.constant 23 : i32
    %min3A_199 = arith.constant 23 : i32
    %min3A_200 = arith.minsi %min3A_198, %min3A_199 : i32
    %mul3A_201 = arith.constant 18432 : i32
    %mul3A_202 = arith.muli %min3A_200, %mul3A_201 : i32
    %dma_start3A_203 = tpu.memref_slice %arg3[%mul3A_202] : memref<442368xf32, #tpu.memory_space<hbm>> -> memref<18432xf32, #tpu.memory_space<hbm>>
    %dma_start3A_204 = tpu.memref_slice %arg3[%mul3A_202] : memref<442368xf32, #tpu.memory_space<hbm>> -> memref<18432xf32, #tpu.memory_space<hbm>>
    tpu.enqueue_dma source(%dma_start3A_204 : memref<18432xf32, #tpu.memory_space<hbm>>) target(%arg10 : memref<18432xf32, #tpu.memory_space<vmem>>) target_semaphore(%arg20 : memref<!tpu.dma_semaphore, #tpu.memory_space<semaphore_mem>>)
    %dma_wait3A_205 = arith.constant 0 : i32
    %dma_wait3A_206 = tpu.memref_slice %arg2[%dma_wait3A_205] : memref<28311552xf32, #tpu.memory_space<hbm>> -> memref<18432xf32, #tpu.memory_space<hbm>>
    %dma_wait3A_207 = arith.constant 0 : i32
    %dma_wait3A_208 = tpu.memref_slice %arg2[%dma_wait3A_207] : memref<28311552xf32, #tpu.memory_space<hbm>> -> memref<18432xf32, #tpu.memory_space<hbm>>
    tpu.wait_dma2 semaphore(%arg11 : memref<!tpu.dma_semaphore, #tpu.memory_space<semaphore_mem>>) src(%dma_wait3A_208 : memref<18432xf32, #tpu.memory_space<hbm>>) dst(%arg5 : memref<18432xf32, #tpu.memory_space<vmem>>)
    %scan3A_209 = arith.constant 0 : i32
    %scan3A_210 = arith.constant 0 : i32
    %scan3A_211 = arith.constant 144 : i32
    %scan3A_212 = arith.addi %scan3A_210, %scan3A_211 : i32
    %scan3A_213 = arith.constant 1 : i32
    scf.for %scan3A_319 = %scan3A_210 to %scan3A_212 step %scan3A_213  : i32 {
      %mul3A_320 = arith.constant 128 : i32
      %mul3A_321 = arith.muli %scan3A_319, %mul3A_320 : i32
      %add3A_322 = arith.constant 0 : i32
      %add3A_323 = arith.addi %mul3A_321, %add3A_322 : i32
      %get3A = arith.index_cast %add3A_323 : i32 to index
      %get3A_324 = tpu.vector_load %arg9[%get3A] {strides = array<i32>} : memref<18432xf32, #tpu.memory_space<vmem>>, vector<16xf32>,
      %get3A_325 = vector.shape_cast %get3A_324 : vector<16xf32> to vector<16xf32>
      %swap3A = arith.index_cast %add3A_323 : i32 to index
      %swap3A_326 = tpu.vector_load %arg5[%swap3A] {strides = array<i32>} : memref<18432xf32, #tpu.memory_space<vmem>>, vector<16xf32>,
      %swap3A_327 = vector.shape_cast %swap3A_326 : vector<16xf32> to vector<16xf32>
      %swap3A_328 = vector.shape_cast %get3A_325 : vector<16xf32> to vector<16xf32>
      tpu.vector_store %arg5[%swap3A], %swap3A_328 {add = true, strides = array<i32>} : memref<18432xf32, #tpu.memory_space<vmem>>, vector<16xf32>,
      %add3A_329 = arith.constant 16 : i32
      %add3A_330 = arith.addi %mul3A_321, %add3A_329 : i32
      %get3A_331 = arith.index_cast %add3A_330 : i32 to index
      %get3A_332 = tpu.vector_load %arg9[%get3A_331] {strides = array<i32>} : memref<18432xf32, #tpu.memory_space<vmem>>, vector<16xf32>,
      %get3A_333 = vector.shape_cast %get3A_332 : vector<16xf32> to vector<16xf32>
      %swap3A_334 = arith.index_cast %add3A_330 : i32 to index
      %swap3A_335 = tpu.vector_load %arg5[%swap3A_334] {strides = array<i32>} : memref<18432xf32, #tpu.memory_space<vmem>>, vector<16xf32>,
      %swap3A_336 = vector.shape_cast %swap3A_335 : vector<16xf32> to vector<16xf32>
      %swap3A_337 = vector.shape_cast %get3A_333 : vector<16xf32> to vector<16xf32>
      tpu.vector_store %arg5[%swap3A_334], %swap3A_337 {add = true, strides = array<i32>} : memref<18432xf32, #tpu.memory_space<vmem>>, vector<16xf32>,
      %add3A_338 = arith.constant 32 : i32
      %add3A_339 = arith.addi %mul3A_321, %add3A_338 : i32
      %get3A_340 = arith.index_cast %add3A_339 : i32 to index
      %get3A_341 = tpu.vector_load %arg9[%get3A_340] {strides = array<i32>} : memref<18432xf32, #tpu.memory_space<vmem>>, vector<16xf32>,
      %get3A_342 = vector.shape_cast %get3A_341 : vector<16xf32> to vector<16xf32>
      %swap3A_343 = arith.index_cast %add3A_339 : i32 to index
      %swap3A_344 = tpu.vector_load %arg5[%swap3A_343] {strides = array<i32>} : memref<18432xf32, #tpu.memory_space<vmem>>, vector<16xf32>,
      %swap3A_345 = vector.shape_cast %swap3A_344 : vector<16xf32> to vector<16xf32>
      %swap3A_346 = vector.shape_cast %get3A_342 : vector<16xf32> to vector<16xf32>
      tpu.vector_store %arg5[%swap3A_343], %swap3A_346 {add = true, strides = array<i32>} : memref<18432xf32, #tpu.memory_space<vmem>>, vector<16xf32>,
      %add3A_347 = arith.constant 48 : i32
      %add3A_348 = arith.addi %mul3A_321, %add3A_347 : i32
      %get3A_349 = arith.index_cast %add3A_348 : i32 to index
      %get3A_350 = tpu.vector_load %arg9[%get3A_349] {strides = array<i32>} : memref<18432xf32, #tpu.memory_space<vmem>>, vector<16xf32>,
      %get3A_351 = vector.shape_cast %get3A_350 : vector<16xf32> to vector<16xf32>
      %swap3A_352 = arith.index_cast %add3A_348 : i32 to index
      %swap3A_353 = tpu.vector_load %arg5[%swap3A_352] {strides = array<i32>} : memref<18432xf32, #tpu.memory_space<vmem>>, vector<16xf32>,
      %swap3A_354 = vector.shape_cast %swap3A_353 : vector<16xf32> to vector<16xf32>
      %swap3A_355 = vector.shape_cast %get3A_351 : vector<16xf32> to vector<16xf32>
      tpu.vector_store %arg5[%swap3A_352], %swap3A_355 {add = true, strides = array<i32>} : memref<18432xf32, #tpu.memory_space<vmem>>, vector<16xf32>,
      %add3A_356 = arith.constant 64 : i32
      %add3A_357 = arith.addi %mul3A_321, %add3A_356 : i32
      %get3A_358 = arith.index_cast %add3A_357 : i32 to index
      %get3A_359 = tpu.vector_load %arg9[%get3A_358] {strides = array<i32>} : memref<18432xf32, #tpu.memory_space<vmem>>, vector<16xf32>,
      %get3A_360 = vector.shape_cast %get3A_359 : vector<16xf32> to vector<16xf32>
      %swap3A_361 = arith.index_cast %add3A_357 : i32 to index
      %swap3A_362 = tpu.vector_load %arg5[%swap3A_361] {strides = array<i32>} : memref<18432xf32, #tpu.memory_space<vmem>>, vector<16xf32>,
      %swap3A_363 = vector.shape_cast %swap3A_362 : vector<16xf32> to vector<16xf32>
      %swap3A_364 = vector.shape_cast %get3A_360 : vector<16xf32> to vector<16xf32>
      tpu.vector_store %arg5[%swap3A_361], %swap3A_364 {add = true, strides = array<i32>} : memref<18432xf32, #tpu.memory_space<vmem>>, vector<16xf32>,
      %add3A_365 = arith.constant 80 : i32
      %add3A_366 = arith.addi %mul3A_321, %add3A_365 : i32
      %get3A_367 = arith.index_cast %add3A_366 : i32 to index
      %get3A_368 = tpu.vector_load %arg9[%get3A_367] {strides = array<i32>} : memref<18432xf32, #tpu.memory_space<vmem>>, vector<16xf32>,
      %get3A_369 = vector.shape_cast %get3A_368 : vector<16xf32> to vector<16xf32>
      %swap3A_370 = arith.index_cast %add3A_366 : i32 to index
      %swap3A_371 = tpu.vector_load %arg5[%swap3A_370] {strides = array<i32>} : memref<18432xf32, #tpu.memory_space<vmem>>, vector<16xf32>,
      %swap3A_372 = vector.shape_cast %swap3A_371 : vector<16xf32> to vector<16xf32>
      %swap3A_373 = vector.shape_cast %get3A_369 : vector<16xf32> to vector<16xf32>
      tpu.vector_store %arg5[%swap3A_370], %swap3A_373 {add = true, strides = array<i32>} : memref<18432xf32, #tpu.memory_space<vmem>>, vector<16xf32>,
      %add3A_374 = arith.constant 96 : i32
      %add3A_375 = arith.addi %mul3A_321, %add3A_374 : i32
      %get3A_376 = arith.index_cast %add3A_375 : i32 to index
      %get3A_377 = tpu.vector_load %arg9[%get3A_376] {strides = array<i32>} : memref<18432xf32, #tpu.memory_space<vmem>>, vector<16xf32>,
      %get3A_378 = vector.shape_cast %get3A_377 : vector<16xf32> to vector<16xf32>
      %swap3A_379 = arith.index_cast %add3A_375 : i32 to index
      %swap3A_380 = tpu.vector_load %arg5[%swap3A_379] {strides = array<i32>} : memref<18432xf32, #tpu.memory_space<vmem>>, vector<16xf32>,
      %swap3A_381 = vector.shape_cast %swap3A_380 : vector<16xf32> to vector<16xf32>
      %swap3A_382 = vector.shape_cast %get3A_378 : vector<16xf32> to vector<16xf32>
      tpu.vector_store %arg5[%swap3A_379], %swap3A_382 {add = true, strides = array<i32>} : memref<18432xf32, #tpu.memory_space<vmem>>, vector<16xf32>,
      %add3A_383 = arith.constant 112 : i32
      %add3A_384 = arith.addi %mul3A_321, %add3A_383 : i32
      %get3A_385 = arith.index_cast %add3A_384 : i32 to index
      %get3A_386 = tpu.vector_load %arg9[%get3A_385] {strides = array<i32>} : memref<18432xf32, #tpu.memory_space<vmem>>, vector<16xf32>,
      %get3A_387 = vector.shape_cast %get3A_386 : vector<16xf32> to vector<16xf32>
      %swap3A_388 = arith.index_cast %add3A_384 : i32 to index
      %swap3A_389 = tpu.vector_load %arg5[%swap3A_388] {strides = array<i32>} : memref<18432xf32, #tpu.memory_space<vmem>>, vector<16xf32>,
      %swap3A_390 = vector.shape_cast %swap3A_389 : vector<16xf32> to vector<16xf32>
      %swap3A_391 = vector.shape_cast %get3A_387 : vector<16xf32> to vector<16xf32>
      tpu.vector_store %arg5[%swap3A_388], %swap3A_391 {add = true, strides = array<i32>} : memref<18432xf32, #tpu.memory_space<vmem>>, vector<16xf32>,
    }
    %scan3A_214 = arith.constant 144 : i32
    %mul3A_215 = arith.constant 2 : i32
    %mul3A_216 = arith.muli %add3A, %mul3A_215 : i32
    %add3A_217 = arith.constant 0 : i32
    %add3A_218 = arith.addi %mul3A_216, %add3A_217 : i32
    %mul3A_219 = arith.constant 442368 : i32
    %mul3A_220 = arith.muli %add3A_218, %mul3A_219 : i32
    %add3A_221 = arith.constant 405504 : i32
    %add3A_222 = arith.addi %mul3A_220, %add3A_221 : i32
    %dma_start3A_223 = tpu.memref_slice %arg4[%add3A_222] : memref<28311552xf32, #tpu.memory_space<hbm>> -> memref<18432xf32, #tpu.memory_space<hbm>>
    %dma_start3A_224 = tpu.memref_slice %arg4[%add3A_222] : memref<28311552xf32, #tpu.memory_space<hbm>> -> memref<18432xf32, #tpu.memory_space<hbm>>
    tpu.enqueue_dma source(%arg5 : memref<18432xf32, #tpu.memory_space<vmem>>) target(%dma_start3A_224 : memref<18432xf32, #tpu.memory_space<hbm>>) target_semaphore(%arg15 : memref<!tpu.dma_semaphore, #tpu.memory_space<semaphore_mem>>)
    %dma_wait3A_225 = arith.constant 0 : i32
    %dma_wait3A_226 = tpu.memref_slice %arg4[%dma_wait3A_225] : memref<28311552xf32, #tpu.memory_space<hbm>> -> memref<18432xf32, #tpu.memory_space<hbm>>
    %dma_wait3A_227 = arith.constant 0 : i32
    %dma_wait3A_228 = tpu.memref_slice %arg4[%dma_wait3A_227] : memref<28311552xf32, #tpu.memory_space<hbm>> -> memref<18432xf32, #tpu.memory_space<hbm>>
    tpu.wait_dma2 semaphore(%arg18 : memref<!tpu.dma_semaphore, #tpu.memory_space<semaphore_mem>>) src(%arg8 : memref<18432xf32, #tpu.memory_space<vmem>>) dst(%dma_wait3A_228 : memref<18432xf32, #tpu.memory_space<hbm>>)
    %mul3A_229 = arith.constant 2 : i32
    %mul3A_230 = arith.muli %add3A, %mul3A_229 : i32
    %add3A_231 = arith.constant 1 : i32
    %add3A_232 = arith.addi %mul3A_230, %add3A_231 : i32
    %mul3A_233 = arith.constant 442368 : i32
    %mul3A_234 = arith.muli %add3A_232, %mul3A_233 : i32
    %add3A_235 = arith.constant 423936 : i32
    %add3A_236 = arith.addi %mul3A_234, %add3A_235 : i32
    %dma_start3A_237 = tpu.memref_slice %arg2[%add3A_236] : memref<28311552xf32, #tpu.memory_space<hbm>> -> memref<18432xf32, #tpu.memory_space<hbm>>
    %dma_start3A_238 = tpu.memref_slice %arg2[%add3A_236] : memref<28311552xf32, #tpu.memory_space<hbm>> -> memref<18432xf32, #tpu.memory_space<hbm>>
    tpu.enqueue_dma source(%dma_start3A_238 : memref<18432xf32, #tpu.memory_space<hbm>>) target(%arg8 : memref<18432xf32, #tpu.memory_space<vmem>>) target_semaphore(%arg14 : memref<!tpu.dma_semaphore, #tpu.memory_space<semaphore_mem>>)
    %dma_wait3A_239 = arith.constant 0 : i32
    %dma_wait3A_240 = tpu.memref_slice %arg2[%dma_wait3A_239] : memref<28311552xf32, #tpu.memory_space<hbm>> -> memref<18432xf32, #tpu.memory_space<hbm>>
    %dma_wait3A_241 = arith.constant 0 : i32
    %dma_wait3A_242 = tpu.memref_slice %arg2[%dma_wait3A_241] : memref<28311552xf32, #tpu.memory_space<hbm>> -> memref<18432xf32, #tpu.memory_space<hbm>>
    tpu.wait_dma2 semaphore(%arg12 : memref<!tpu.dma_semaphore, #tpu.memory_space<semaphore_mem>>) src(%dma_wait3A_242 : memref<18432xf32, #tpu.memory_space<hbm>>) dst(%arg6 : memref<18432xf32, #tpu.memory_space<vmem>>)
    %scan3A_243 = arith.constant 0 : i32
    %scan3A_244 = arith.constant 0 : i32
    %scan3A_245 = arith.constant 144 : i32
    %scan3A_246 = arith.addi %scan3A_244, %scan3A_245 : i32
    %scan3A_247 = arith.constant 1 : i32
    scf.for %scan3A_319 = %scan3A_244 to %scan3A_246 step %scan3A_247  : i32 {
      %mul3A_320 = arith.constant 128 : i32
      %mul3A_321 = arith.muli %scan3A_319, %mul3A_320 : i32
      %add3A_322 = arith.constant 0 : i32
      %add3A_323 = arith.addi %mul3A_321, %add3A_322 : i32
      %get3A = arith.index_cast %add3A_323 : i32 to index
      %get3A_324 = tpu.vector_load %arg9[%get3A] {strides = array<i32>} : memref<18432xf32, #tpu.memory_space<vmem>>, vector<16xf32>,
      %get3A_325 = vector.shape_cast %get3A_324 : vector<16xf32> to vector<16xf32>
      %swap3A = arith.index_cast %add3A_323 : i32 to index
      %swap3A_326 = tpu.vector_load %arg6[%swap3A] {strides = array<i32>} : memref<18432xf32, #tpu.memory_space<vmem>>, vector<16xf32>,
      %swap3A_327 = vector.shape_cast %swap3A_326 : vector<16xf32> to vector<16xf32>
      %swap3A_328 = vector.shape_cast %get3A_325 : vector<16xf32> to vector<16xf32>
      tpu.vector_store %arg6[%swap3A], %swap3A_328 {add = true, strides = array<i32>} : memref<18432xf32, #tpu.memory_space<vmem>>, vector<16xf32>,
      %add3A_329 = arith.constant 16 : i32
      %add3A_330 = arith.addi %mul3A_321, %add3A_329 : i32
      %get3A_331 = arith.index_cast %add3A_330 : i32 to index
      %get3A_332 = tpu.vector_load %arg9[%get3A_331] {strides = array<i32>} : memref<18432xf32, #tpu.memory_space<vmem>>, vector<16xf32>,
      %get3A_333 = vector.shape_cast %get3A_332 : vector<16xf32> to vector<16xf32>
      %swap3A_334 = arith.index_cast %add3A_330 : i32 to index
      %swap3A_335 = tpu.vector_load %arg6[%swap3A_334] {strides = array<i32>} : memref<18432xf32, #tpu.memory_space<vmem>>, vector<16xf32>,
      %swap3A_336 = vector.shape_cast %swap3A_335 : vector<16xf32> to vector<16xf32>
      %swap3A_337 = vector.shape_cast %get3A_333 : vector<16xf32> to vector<16xf32>
      tpu.vector_store %arg6[%swap3A_334], %swap3A_337 {add = true, strides = array<i32>} : memref<18432xf32, #tpu.memory_space<vmem>>, vector<16xf32>,
      %add3A_338 = arith.constant 32 : i32
      %add3A_339 = arith.addi %mul3A_321, %add3A_338 : i32
      %get3A_340 = arith.index_cast %add3A_339 : i32 to index
      %get3A_341 = tpu.vector_load %arg9[%get3A_340] {strides = array<i32>} : memref<18432xf32, #tpu.memory_space<vmem>>, vector<16xf32>,
      %get3A_342 = vector.shape_cast %get3A_341 : vector<16xf32> to vector<16xf32>
      %swap3A_343 = arith.index_cast %add3A_339 : i32 to index
      %swap3A_344 = tpu.vector_load %arg6[%swap3A_343] {strides = array<i32>} : memref<18432xf32, #tpu.memory_space<vmem>>, vector<16xf32>,
      %swap3A_345 = vector.shape_cast %swap3A_344 : vector<16xf32> to vector<16xf32>
      %swap3A_346 = vector.shape_cast %get3A_342 : vector<16xf32> to vector<16xf32>
      tpu.vector_store %arg6[%swap3A_343], %swap3A_346 {add = true, strides = array<i32>} : memref<18432xf32, #tpu.memory_space<vmem>>, vector<16xf32>,
      %add3A_347 = arith.constant 48 : i32
      %add3A_348 = arith.addi %mul3A_321, %add3A_347 : i32
      %get3A_349 = arith.index_cast %add3A_348 : i32 to index
      %get3A_350 = tpu.vector_load %arg9[%get3A_349] {strides = array<i32>} : memref<18432xf32, #tpu.memory_space<vmem>>, vector<16xf32>,
      %get3A_351 = vector.shape_cast %get3A_350 : vector<16xf32> to vector<16xf32>
      %swap3A_352 = arith.index_cast %add3A_348 : i32 to index
      %swap3A_353 = tpu.vector_load %arg6[%swap3A_352] {strides = array<i32>} : memref<18432xf32, #tpu.memory_space<vmem>>, vector<16xf32>,
      %swap3A_354 = vector.shape_cast %swap3A_353 : vector<16xf32> to vector<16xf32>
      %swap3A_355 = vector.shape_cast %get3A_351 : vector<16xf32> to vector<16xf32>
      tpu.vector_store %arg6[%swap3A_352], %swap3A_355 {add = true, strides = array<i32>} : memref<18432xf32, #tpu.memory_space<vmem>>, vector<16xf32>,
      %add3A_356 = arith.constant 64 : i32
      %add3A_357 = arith.addi %mul3A_321, %add3A_356 : i32
      %get3A_358 = arith.index_cast %add3A_357 : i32 to index
      %get3A_359 = tpu.vector_load %arg9[%get3A_358] {strides = array<i32>} : memref<18432xf32, #tpu.memory_space<vmem>>, vector<16xf32>,
      %get3A_360 = vector.shape_cast %get3A_359 : vector<16xf32> to vector<16xf32>
      %swap3A_361 = arith.index_cast %add3A_357 : i32 to index
      %swap3A_362 = tpu.vector_load %arg6[%swap3A_361] {strides = array<i32>} : memref<18432xf32, #tpu.memory_space<vmem>>, vector<16xf32>,
      %swap3A_363 = vector.shape_cast %swap3A_362 : vector<16xf32> to vector<16xf32>
      %swap3A_364 = vector.shape_cast %get3A_360 : vector<16xf32> to vector<16xf32>
      tpu.vector_store %arg6[%swap3A_361], %swap3A_364 {add = true, strides = array<i32>} : memref<18432xf32, #tpu.memory_space<vmem>>, vector<16xf32>,
      %add3A_365 = arith.constant 80 : i32
      %add3A_366 = arith.addi %mul3A_321, %add3A_365 : i32
      %get3A_367 = arith.index_cast %add3A_366 : i32 to index
      %get3A_368 = tpu.vector_load %arg9[%get3A_367] {strides = array<i32>} : memref<18432xf32, #tpu.memory_space<vmem>>, vector<16xf32>,
      %get3A_369 = vector.shape_cast %get3A_368 : vector<16xf32> to vector<16xf32>
      %swap3A_370 = arith.index_cast %add3A_366 : i32 to index
      %swap3A_371 = tpu.vector_load %arg6[%swap3A_370] {strides = array<i32>} : memref<18432xf32, #tpu.memory_space<vmem>>, vector<16xf32>,
      %swap3A_372 = vector.shape_cast %swap3A_371 : vector<16xf32> to vector<16xf32>
      %swap3A_373 = vector.shape_cast %get3A_369 : vector<16xf32> to vector<16xf32>
      tpu.vector_store %arg6[%swap3A_370], %swap3A_373 {add = true, strides = array<i32>} : memref<18432xf32, #tpu.memory_space<vmem>>, vector<16xf32>,
      %add3A_374 = arith.constant 96 : i32
      %add3A_375 = arith.addi %mul3A_321, %add3A_374 : i32
      %get3A_376 = arith.index_cast %add3A_375 : i32 to index
      %get3A_377 = tpu.vector_load %arg9[%get3A_376] {strides = array<i32>} : memref<18432xf32, #tpu.memory_space<vmem>>, vector<16xf32>,
      %get3A_378 = vector.shape_cast %get3A_377 : vector<16xf32> to vector<16xf32>
      %swap3A_379 = arith.index_cast %add3A_375 : i32 to index
      %swap3A_380 = tpu.vector_load %arg6[%swap3A_379] {strides = array<i32>} : memref<18432xf32, #tpu.memory_space<vmem>>, vector<16xf32>,
      %swap3A_381 = vector.shape_cast %swap3A_380 : vector<16xf32> to vector<16xf32>
      %swap3A_382 = vector.shape_cast %get3A_378 : vector<16xf32> to vector<16xf32>
      tpu.vector_store %arg6[%swap3A_379], %swap3A_382 {add = true, strides = array<i32>} : memref<18432xf32, #tpu.memory_space<vmem>>, vector<16xf32>,
      %add3A_383 = arith.constant 112 : i32
      %add3A_384 = arith.addi %mul3A_321, %add3A_383 : i32
      %get3A_385 = arith.index_cast %add3A_384 : i32 to index
      %get3A_386 = tpu.vector_load %arg9[%get3A_385] {strides = array<i32>} : memref<18432xf32, #tpu.memory_space<vmem>>, vector<16xf32>,
      %get3A_387 = vector.shape_cast %get3A_386 : vector<16xf32> to vector<16xf32>
      %swap3A_388 = arith.index_cast %add3A_384 : i32 to index
      %swap3A_389 = tpu.vector_load %arg6[%swap3A_388] {strides = array<i32>} : memref<18432xf32, #tpu.memory_space<vmem>>, vector<16xf32>,
      %swap3A_390 = vector.shape_cast %swap3A_389 : vector<16xf32> to vector<16xf32>
      %swap3A_391 = vector.shape_cast %get3A_387 : vector<16xf32> to vector<16xf32>
      tpu.vector_store %arg6[%swap3A_388], %swap3A_391 {add = true, strides = array<i32>} : memref<18432xf32, #tpu.memory_space<vmem>>, vector<16xf32>,
    }
    %scan3A_248 = arith.constant 144 : i32
    %mul3A_249 = arith.constant 2 : i32
    %mul3A_250 = arith.muli %add3A, %mul3A_249 : i32
    %add3A_251 = arith.constant 1 : i32
    %add3A_252 = arith.addi %mul3A_250, %add3A_251 : i32
    %mul3A_253 = arith.constant 442368 : i32
    %mul3A_254 = arith.muli %add3A_252, %mul3A_253 : i32
    %add3A_255 = arith.constant 405504 : i32
    %add3A_256 = arith.addi %mul3A_254, %add3A_255 : i32
    %dma_start3A_257 = tpu.memref_slice %arg4[%add3A_256] : memref<28311552xf32, #tpu.memory_space<hbm>> -> memref<18432xf32, #tpu.memory_space<hbm>>
    %dma_start3A_258 = tpu.memref_slice %arg4[%add3A_256] : memref<28311552xf32, #tpu.memory_space<hbm>> -> memref<18432xf32, #tpu.memory_space<hbm>>
    tpu.enqueue_dma source(%arg6 : memref<18432xf32, #tpu.memory_space<vmem>>) target(%dma_start3A_258 : memref<18432xf32, #tpu.memory_space<hbm>>) target_semaphore(%arg16 : memref<!tpu.dma_semaphore, #tpu.memory_space<semaphore_mem>>)
    %dma_wait3A_259 = arith.constant 0 : i32
    %dma_wait3A_260 = tpu.memref_slice %arg3[%dma_wait3A_259] : memref<442368xf32, #tpu.memory_space<hbm>> -> memref<18432xf32, #tpu.memory_space<hbm>>
    %dma_wait3A_261 = arith.constant 0 : i32
    %dma_wait3A_262 = tpu.memref_slice %arg3[%dma_wait3A_261] : memref<442368xf32, #tpu.memory_space<hbm>> -> memref<18432xf32, #tpu.memory_space<hbm>>
    tpu.wait_dma2 semaphore(%arg20 : memref<!tpu.dma_semaphore, #tpu.memory_space<semaphore_mem>>) src(%dma_wait3A_262 : memref<18432xf32, #tpu.memory_space<hbm>>) dst(%arg10 : memref<18432xf32, #tpu.memory_space<vmem>>)
    %dma_wait3A_263 = arith.constant 0 : i32
    %dma_wait3A_264 = tpu.memref_slice %arg2[%dma_wait3A_263] : memref<28311552xf32, #tpu.memory_space<hbm>> -> memref<18432xf32, #tpu.memory_space<hbm>>
    %dma_wait3A_265 = arith.constant 0 : i32
    %dma_wait3A_266 = tpu.memref_slice %arg2[%dma_wait3A_265] : memref<28311552xf32, #tpu.memory_space<hbm>> -> memref<18432xf32, #tpu.memory_space<hbm>>
    tpu.wait_dma2 semaphore(%arg13 : memref<!tpu.dma_semaphore, #tpu.memory_space<semaphore_mem>>) src(%dma_wait3A_266 : memref<18432xf32, #tpu.memory_space<hbm>>) dst(%arg7 : memref<18432xf32, #tpu.memory_space<vmem>>)
    %scan3A_267 = arith.constant 0 : i32
    %scan3A_268 = arith.constant 0 : i32
    %scan3A_269 = arith.constant 144 : i32
    %scan3A_270 = arith.addi %scan3A_268, %scan3A_269 : i32
    %scan3A_271 = arith.constant 1 : i32
    scf.for %scan3A_319 = %scan3A_268 to %scan3A_270 step %scan3A_271  : i32 {
      %mul3A_320 = arith.constant 128 : i32
      %mul3A_321 = arith.muli %scan3A_319, %mul3A_320 : i32
      %add3A_322 = arith.constant 0 : i32
      %add3A_323 = arith.addi %mul3A_321, %add3A_322 : i32
      %get3A = arith.index_cast %add3A_323 : i32 to index
      %get3A_324 = tpu.vector_load %arg10[%get3A] {strides = array<i32>} : memref<18432xf32, #tpu.memory_space<vmem>>, vector<16xf32>,
      %get3A_325 = vector.shape_cast %get3A_324 : vector<16xf32> to vector<16xf32>
      %swap3A = arith.index_cast %add3A_323 : i32 to index
      %swap3A_326 = tpu.vector_load %arg7[%swap3A] {strides = array<i32>} : memref<18432xf32, #tpu.memory_space<vmem>>, vector<16xf32>,
      %swap3A_327 = vector.shape_cast %swap3A_326 : vector<16xf32> to vector<16xf32>
      %swap3A_328 = vector.shape_cast %get3A_325 : vector<16xf32> to vector<16xf32>
      tpu.vector_store %arg7[%swap3A], %swap3A_328 {add = true, strides = array<i32>} : memref<18432xf32, #tpu.memory_space<vmem>>, vector<16xf32>,
      %add3A_329 = arith.constant 16 : i32
      %add3A_330 = arith.addi %mul3A_321, %add3A_329 : i32
      %get3A_331 = arith.index_cast %add3A_330 : i32 to index
      %get3A_332 = tpu.vector_load %arg10[%get3A_331] {strides = array<i32>} : memref<18432xf32, #tpu.memory_space<vmem>>, vector<16xf32>,
      %get3A_333 = vector.shape_cast %get3A_332 : vector<16xf32> to vector<16xf32>
      %swap3A_334 = arith.index_cast %add3A_330 : i32 to index
      %swap3A_335 = tpu.vector_load %arg7[%swap3A_334] {strides = array<i32>} : memref<18432xf32, #tpu.memory_space<vmem>>, vector<16xf32>,
      %swap3A_336 = vector.shape_cast %swap3A_335 : vector<16xf32> to vector<16xf32>
      %swap3A_337 = vector.shape_cast %get3A_333 : vector<16xf32> to vector<16xf32>
      tpu.vector_store %arg7[%swap3A_334], %swap3A_337 {add = true, strides = array<i32>} : memref<18432xf32, #tpu.memory_space<vmem>>, vector<16xf32>,
      %add3A_338 = arith.constant 32 : i32
      %add3A_339 = arith.addi %mul3A_321, %add3A_338 : i32
      %get3A_340 = arith.index_cast %add3A_339 : i32 to index
      %get3A_341 = tpu.vector_load %arg10[%get3A_340] {strides = array<i32>} : memref<18432xf32, #tpu.memory_space<vmem>>, vector<16xf32>,
      %get3A_342 = vector.shape_cast %get3A_341 : vector<16xf32> to vector<16xf32>
      %swap3A_343 = arith.index_cast %add3A_339 : i32 to index
      %swap3A_344 = tpu.vector_load %arg7[%swap3A_343] {strides = array<i32>} : memref<18432xf32, #tpu.memory_space<vmem>>, vector<16xf32>,
      %swap3A_345 = vector.shape_cast %swap3A_344 : vector<16xf32> to vector<16xf32>
      %swap3A_346 = vector.shape_cast %get3A_342 : vector<16xf32> to vector<16xf32>
      tpu.vector_store %arg7[%swap3A_343], %swap3A_346 {add = true, strides = array<i32>} : memref<18432xf32, #tpu.memory_space<vmem>>, vector<16xf32>,
      %add3A_347 = arith.constant 48 : i32
      %add3A_348 = arith.addi %mul3A_321, %add3A_347 : i32
      %get3A_349 = arith.index_cast %add3A_348 : i32 to index
      %get3A_350 = tpu.vector_load %arg10[%get3A_349] {strides = array<i32>} : memref<18432xf32, #tpu.memory_space<vmem>>, vector<16xf32>,
      %get3A_351 = vector.shape_cast %get3A_350 : vector<16xf32> to vector<16xf32>
      %swap3A_352 = arith.index_cast %add3A_348 : i32 to index
      %swap3A_353 = tpu.vector_load %arg7[%swap3A_352] {strides = array<i32>} : memref<18432xf32, #tpu.memory_space<vmem>>, vector<16xf32>,
      %swap3A_354 = vector.shape_cast %swap3A_353 : vector<16xf32> to vector<16xf32>
      %swap3A_355 = vector.shape_cast %get3A_351 : vector<16xf32> to vector<16xf32>
      tpu.vector_store %arg7[%swap3A_352], %swap3A_355 {add = true, strides = array<i32>} : memref<18432xf32, #tpu.memory_space<vmem>>, vector<16xf32>,
      %add3A_356 = arith.constant 64 : i32
      %add3A_357 = arith.addi %mul3A_321, %add3A_356 : i32
      %get3A_358 = arith.index_cast %add3A_357 : i32 to index
      %get3A_359 = tpu.vector_load %arg10[%get3A_358] {strides = array<i32>} : memref<18432xf32, #tpu.memory_space<vmem>>, vector<16xf32>,
      %get3A_360 = vector.shape_cast %get3A_359 : vector<16xf32> to vector<16xf32>
      %swap3A_361 = arith.index_cast %add3A_357 : i32 to index
      %swap3A_362 = tpu.vector_load %arg7[%swap3A_361] {strides = array<i32>} : memref<18432xf32, #tpu.memory_space<vmem>>, vector<16xf32>,
      %swap3A_363 = vector.shape_cast %swap3A_362 : vector<16xf32> to vector<16xf32>
      %swap3A_364 = vector.shape_cast %get3A_360 : vector<16xf32> to vector<16xf32>
      tpu.vector_store %arg7[%swap3A_361], %swap3A_364 {add = true, strides = array<i32>} : memref<18432xf32, #tpu.memory_space<vmem>>, vector<16xf32>,
      %add3A_365 = arith.constant 80 : i32
      %add3A_366 = arith.addi %mul3A_321, %add3A_365 : i32
      %get3A_367 = arith.index_cast %add3A_366 : i32 to index
      %get3A_368 = tpu.vector_load %arg10[%get3A_367] {strides = array<i32>} : memref<18432xf32, #tpu.memory_space<vmem>>, vector<16xf32>,
      %get3A_369 = vector.shape_cast %get3A_368 : vector<16xf32> to vector<16xf32>
      %swap3A_370 = arith.index_cast %add3A_366 : i32 to index
      %swap3A_371 = tpu.vector_load %arg7[%swap3A_370] {strides = array<i32>} : memref<18432xf32, #tpu.memory_space<vmem>>, vector<16xf32>,
      %swap3A_372 = vector.shape_cast %swap3A_371 : vector<16xf32> to vector<16xf32>
      %swap3A_373 = vector.shape_cast %get3A_369 : vector<16xf32> to vector<16xf32>
      tpu.vector_store %arg7[%swap3A_370], %swap3A_373 {add = true, strides = array<i32>} : memref<18432xf32, #tpu.memory_space<vmem>>, vector<16xf32>,
      %add3A_374 = arith.constant 96 : i32
      %add3A_375 = arith.addi %mul3A_321, %add3A_374 : i32
      %get3A_376 = arith.index_cast %add3A_375 : i32 to index
      %get3A_377 = tpu.vector_load %arg10[%get3A_376] {strides = array<i32>} : memref<18432xf32, #tpu.memory_space<vmem>>, vector<16xf32>,
      %get3A_378 = vector.shape_cast %get3A_377 : vector<16xf32> to vector<16xf32>
      %swap3A_379 = arith.index_cast %add3A_375 : i32 to index
      %swap3A_380 = tpu.vector_load %arg7[%swap3A_379] {strides = array<i32>} : memref<18432xf32, #tpu.memory_space<vmem>>, vector<16xf32>,
      %swap3A_381 = vector.shape_cast %swap3A_380 : vector<16xf32> to vector<16xf32>
      %swap3A_382 = vector.shape_cast %get3A_378 : vector<16xf32> to vector<16xf32>
      tpu.vector_store %arg7[%swap3A_379], %swap3A_382 {add = true, strides = array<i32>} : memref<18432xf32, #tpu.memory_space<vmem>>, vector<16xf32>,
      %add3A_383 = arith.constant 112 : i32
      %add3A_384 = arith.addi %mul3A_321, %add3A_383 : i32
      %get3A_385 = arith.index_cast %add3A_384 : i32 to index
      %get3A_386 = tpu.vector_load %arg10[%get3A_385] {strides = array<i32>} : memref<18432xf32, #tpu.memory_space<vmem>>, vector<16xf32>,
      %get3A_387 = vector.shape_cast %get3A_386 : vector<16xf32> to vector<16xf32>
      %swap3A_388 = arith.index_cast %add3A_384 : i32 to index
      %swap3A_389 = tpu.vector_load %arg7[%swap3A_388] {strides = array<i32>} : memref<18432xf32, #tpu.memory_space<vmem>>, vector<16xf32>,
      %swap3A_390 = vector.shape_cast %swap3A_389 : vector<16xf32> to vector<16xf32>
      %swap3A_391 = vector.shape_cast %get3A_387 : vector<16xf32> to vector<16xf32>
      tpu.vector_store %arg7[%swap3A_388], %swap3A_391 {add = true, strides = array<i32>} : memref<18432xf32, #tpu.memory_space<vmem>>, vector<16xf32>,
    }
    %scan3A_272 = arith.constant 144 : i32
    %mul3A_273 = arith.constant 2 : i32
    %mul3A_274 = arith.muli %add3A, %mul3A_273 : i32
    %add3A_275 = arith.constant 0 : i32
    %add3A_276 = arith.addi %mul3A_274, %add3A_275 : i32
    %mul3A_277 = arith.constant 442368 : i32
    %mul3A_278 = arith.muli %add3A_276, %mul3A_277 : i32
    %add3A_279 = arith.constant 423936 : i32
    %add3A_280 = arith.addi %mul3A_278, %add3A_279 : i32
    %dma_start3A_281 = tpu.memref_slice %arg4[%add3A_280] : memref<28311552xf32, #tpu.memory_space<hbm>> -> memref<18432xf32, #tpu.memory_space<hbm>>
    %dma_start3A_282 = tpu.memref_slice %arg4[%add3A_280] : memref<28311552xf32, #tpu.memory_space<hbm>> -> memref<18432xf32, #tpu.memory_space<hbm>>
    tpu.enqueue_dma source(%arg7 : memref<18432xf32, #tpu.memory_space<vmem>>) target(%dma_start3A_282 : memref<18432xf32, #tpu.memory_space<hbm>>) target_semaphore(%arg17 : memref<!tpu.dma_semaphore, #tpu.memory_space<semaphore_mem>>)
    %dma_wait3A_283 = arith.constant 0 : i32
    %dma_wait3A_284 = tpu.memref_slice %arg2[%dma_wait3A_283] : memref<28311552xf32, #tpu.memory_space<hbm>> -> memref<18432xf32, #tpu.memory_space<hbm>>
    %dma_wait3A_285 = arith.constant 0 : i32
    %dma_wait3A_286 = tpu.memref_slice %arg2[%dma_wait3A_285] : memref<28311552xf32, #tpu.memory_space<hbm>> -> memref<18432xf32, #tpu.memory_space<hbm>>
    tpu.wait_dma2 semaphore(%arg14 : memref<!tpu.dma_semaphore, #tpu.memory_space<semaphore_mem>>) src(%dma_wait3A_286 : memref<18432xf32, #tpu.memory_space<hbm>>) dst(%arg8 : memref<18432xf32, #tpu.memory_space<vmem>>)
    %scan3A_287 = arith.constant 0 : i32
    %scan3A_288 = arith.constant 0 : i32
    %scan3A_289 = arith.constant 144 : i32
    %scan3A_290 = arith.addi %scan3A_288, %scan3A_289 : i32
    %scan3A_291 = arith.constant 1 : i32
    scf.for %scan3A_319 = %scan3A_288 to %scan3A_290 step %scan3A_291  : i32 {
      %mul3A_320 = arith.constant 128 : i32
      %mul3A_321 = arith.muli %scan3A_319, %mul3A_320 : i32
      %add3A_322 = arith.constant 0 : i32
      %add3A_323 = arith.addi %mul3A_321, %add3A_322 : i32
      %get3A = arith.index_cast %add3A_323 : i32 to index
      %get3A_324 = tpu.vector_load %arg10[%get3A] {strides = array<i32>} : memref<18432xf32, #tpu.memory_space<vmem>>, vector<16xf32>,
      %get3A_325 = vector.shape_cast %get3A_324 : vector<16xf32> to vector<16xf32>
      %swap3A = arith.index_cast %add3A_323 : i32 to index
      %swap3A_326 = tpu.vector_load %arg8[%swap3A] {strides = array<i32>} : memref<18432xf32, #tpu.memory_space<vmem>>, vector<16xf32>,
      %swap3A_327 = vector.shape_cast %swap3A_326 : vector<16xf32> to vector<16xf32>
      %swap3A_328 = vector.shape_cast %get3A_325 : vector<16xf32> to vector<16xf32>
      tpu.vector_store %arg8[%swap3A], %swap3A_328 {add = true, strides = array<i32>} : memref<18432xf32, #tpu.memory_space<vmem>>, vector<16xf32>,
      %add3A_329 = arith.constant 16 : i32
      %add3A_330 = arith.addi %mul3A_321, %add3A_329 : i32
      %get3A_331 = arith.index_cast %add3A_330 : i32 to index
      %get3A_332 = tpu.vector_load %arg10[%get3A_331] {strides = array<i32>} : memref<18432xf32, #tpu.memory_space<vmem>>, vector<16xf32>,
      %get3A_333 = vector.shape_cast %get3A_332 : vector<16xf32> to vector<16xf32>
      %swap3A_334 = arith.index_cast %add3A_330 : i32 to index
      %swap3A_335 = tpu.vector_load %arg8[%swap3A_334] {strides = array<i32>} : memref<18432xf32, #tpu.memory_space<vmem>>, vector<16xf32>,
      %swap3A_336 = vector.shape_cast %swap3A_335 : vector<16xf32> to vector<16xf32>
      %swap3A_337 = vector.shape_cast %get3A_333 : vector<16xf32> to vector<16xf32>
      tpu.vector_store %arg8[%swap3A_334], %swap3A_337 {add = true, strides = array<i32>} : memref<18432xf32, #tpu.memory_space<vmem>>, vector<16xf32>,
      %add3A_338 = arith.constant 32 : i32
      %add3A_339 = arith.addi %mul3A_321, %add3A_338 : i32
      %get3A_340 = arith.index_cast %add3A_339 : i32 to index
      %get3A_341 = tpu.vector_load %arg10[%get3A_340] {strides = array<i32>} : memref<18432xf32, #tpu.memory_space<vmem>>, vector<16xf32>,
      %get3A_342 = vector.shape_cast %get3A_341 : vector<16xf32> to vector<16xf32>
      %swap3A_343 = arith.index_cast %add3A_339 : i32 to index
      %swap3A_344 = tpu.vector_load %arg8[%swap3A_343] {strides = array<i32>} : memref<18432xf32, #tpu.memory_space<vmem>>, vector<16xf32>,
      %swap3A_345 = vector.shape_cast %swap3A_344 : vector<16xf32> to vector<16xf32>
      %swap3A_346 = vector.shape_cast %get3A_342 : vector<16xf32> to vector<16xf32>
      tpu.vector_store %arg8[%swap3A_343], %swap3A_346 {add = true, strides = array<i32>} : memref<18432xf32, #tpu.memory_space<vmem>>, vector<16xf32>,
      %add3A_347 = arith.constant 48 : i32
      %add3A_348 = arith.addi %mul3A_321, %add3A_347 : i32
      %get3A_349 = arith.index_cast %add3A_348 : i32 to index
      %get3A_350 = tpu.vector_load %arg10[%get3A_349] {strides = array<i32>} : memref<18432xf32, #tpu.memory_space<vmem>>, vector<16xf32>,
      %get3A_351 = vector.shape_cast %get3A_350 : vector<16xf32> to vector<16xf32>
      %swap3A_352 = arith.index_cast %add3A_348 : i32 to index
      %swap3A_353 = tpu.vector_load %arg8[%swap3A_352] {strides = array<i32>} : memref<18432xf32, #tpu.memory_space<vmem>>, vector<16xf32>,
      %swap3A_354 = vector.shape_cast %swap3A_353 : vector<16xf32> to vector<16xf32>
      %swap3A_355 = vector.shape_cast %get3A_351 : vector<16xf32> to vector<16xf32>
      tpu.vector_store %arg8[%swap3A_352], %swap3A_355 {add = true, strides = array<i32>} : memref<18432xf32, #tpu.memory_space<vmem>>, vector<16xf32>,
      %add3A_356 = arith.constant 64 : i32
      %add3A_357 = arith.addi %mul3A_321, %add3A_356 : i32
      %get3A_358 = arith.index_cast %add3A_357 : i32 to index
      %get3A_359 = tpu.vector_load %arg10[%get3A_358] {strides = array<i32>} : memref<18432xf32, #tpu.memory_space<vmem>>, vector<16xf32>,
      %get3A_360 = vector.shape_cast %get3A_359 : vector<16xf32> to vector<16xf32>
      %swap3A_361 = arith.index_cast %add3A_357 : i32 to index
      %swap3A_362 = tpu.vector_load %arg8[%swap3A_361] {strides = array<i32>} : memref<18432xf32, #tpu.memory_space<vmem>>, vector<16xf32>,
      %swap3A_363 = vector.shape_cast %swap3A_362 : vector<16xf32> to vector<16xf32>
      %swap3A_364 = vector.shape_cast %get3A_360 : vector<16xf32> to vector<16xf32>
      tpu.vector_store %arg8[%swap3A_361], %swap3A_364 {add = true, strides = array<i32>} : memref<18432xf32, #tpu.memory_space<vmem>>, vector<16xf32>,
      %add3A_365 = arith.constant 80 : i32
      %add3A_366 = arith.addi %mul3A_321, %add3A_365 : i32
      %get3A_367 = arith.index_cast %add3A_366 : i32 to index
      %get3A_368 = tpu.vector_load %arg10[%get3A_367] {strides = array<i32>} : memref<18432xf32, #tpu.memory_space<vmem>>, vector<16xf32>,
      %get3A_369 = vector.shape_cast %get3A_368 : vector<16xf32> to vector<16xf32>
      %swap3A_370 = arith.index_cast %add3A_366 : i32 to index
      %swap3A_371 = tpu.vector_load %arg8[%swap3A_370] {strides = array<i32>} : memref<18432xf32, #tpu.memory_space<vmem>>, vector<16xf32>,
      %swap3A_372 = vector.shape_cast %swap3A_371 : vector<16xf32> to vector<16xf32>
      %swap3A_373 = vector.shape_cast %get3A_369 : vector<16xf32> to vector<16xf32>
      tpu.vector_store %arg8[%swap3A_370], %swap3A_373 {add = true, strides = array<i32>} : memref<18432xf32, #tpu.memory_space<vmem>>, vector<16xf32>,
      %add3A_374 = arith.constant 96 : i32
      %add3A_375 = arith.addi %mul3A_321, %add3A_374 : i32
      %get3A_376 = arith.index_cast %add3A_375 : i32 to index
      %get3A_377 = tpu.vector_load %arg10[%get3A_376] {strides = array<i32>} : memref<18432xf32, #tpu.memory_space<vmem>>, vector<16xf32>,
      %get3A_378 = vector.shape_cast %get3A_377 : vector<16xf32> to vector<16xf32>
      %swap3A_379 = arith.index_cast %add3A_375 : i32 to index
      %swap3A_380 = tpu.vector_load %arg8[%swap3A_379] {strides = array<i32>} : memref<18432xf32, #tpu.memory_space<vmem>>, vector<16xf32>,
      %swap3A_381 = vector.shape_cast %swap3A_380 : vector<16xf32> to vector<16xf32>
      %swap3A_382 = vector.shape_cast %get3A_378 : vector<16xf32> to vector<16xf32>
      tpu.vector_store %arg8[%swap3A_379], %swap3A_382 {add = true, strides = array<i32>} : memref<18432xf32, #tpu.memory_space<vmem>>, vector<16xf32>,
      %add3A_383 = arith.constant 112 : i32
      %add3A_384 = arith.addi %mul3A_321, %add3A_383 : i32
      %get3A_385 = arith.index_cast %add3A_384 : i32 to index
      %get3A_386 = tpu.vector_load %arg10[%get3A_385] {strides = array<i32>} : memref<18432xf32, #tpu.memory_space<vmem>>, vector<16xf32>,
      %get3A_387 = vector.shape_cast %get3A_386 : vector<16xf32> to vector<16xf32>
      %swap3A_388 = arith.index_cast %add3A_384 : i32 to index
      %swap3A_389 = tpu.vector_load %arg8[%swap3A_388] {strides = array<i32>} : memref<18432xf32, #tpu.memory_space<vmem>>, vector<16xf32>,
      %swap3A_390 = vector.shape_cast %swap3A_389 : vector<16xf32> to vector<16xf32>
      %swap3A_391 = vector.shape_cast %get3A_387 : vector<16xf32> to vector<16xf32>
      tpu.vector_store %arg8[%swap3A_388], %swap3A_391 {add = true, strides = array<i32>} : memref<18432xf32, #tpu.memory_space<vmem>>, vector<16xf32>,
    }
    %scan3A_292 = arith.constant 144 : i32
    %mul3A_293 = arith.constant 2 : i32
    %mul3A_294 = arith.muli %add3A, %mul3A_293 : i32
    %add3A_295 = arith.constant 1 : i32
    %add3A_296 = arith.addi %mul3A_294, %add3A_295 : i32
    %mul3A_297 = arith.constant 442368 : i32
    %mul3A_298 = arith.muli %add3A_296, %mul3A_297 : i32
    %add3A_299 = arith.constant 423936 : i32
    %add3A_300 = arith.addi %mul3A_298, %add3A_299 : i32
    %dma_start3A_301 = tpu.memref_slice %arg4[%add3A_300] : memref<28311552xf32, #tpu.memory_space<hbm>> -> memref<18432xf32, #tpu.memory_space<hbm>>
    %dma_start3A_302 = tpu.memref_slice %arg4[%add3A_300] : memref<28311552xf32, #tpu.memory_space<hbm>> -> memref<18432xf32, #tpu.memory_space<hbm>>
    tpu.enqueue_dma source(%arg8 : memref<18432xf32, #tpu.memory_space<vmem>>) target(%dma_start3A_302 : memref<18432xf32, #tpu.memory_space<hbm>>) target_semaphore(%arg18 : memref<!tpu.dma_semaphore, #tpu.memory_space<semaphore_mem>>)
    %dma_wait3A_303 = arith.constant 0 : i32
    %dma_wait3A_304 = tpu.memref_slice %arg4[%dma_wait3A_303] : memref<28311552xf32, #tpu.memory_space<hbm>> -> memref<18432xf32, #tpu.memory_space<hbm>>
    %dma_wait3A_305 = arith.constant 0 : i32
    %dma_wait3A_306 = tpu.memref_slice %arg4[%dma_wait3A_305] : memref<28311552xf32, #tpu.memory_space<hbm>> -> memref<18432xf32, #tpu.memory_space<hbm>>
    tpu.wait_dma2 semaphore(%arg15 : memref<!tpu.dma_semaphore, #tpu.memory_space<semaphore_mem>>) src(%arg5 : memref<18432xf32, #tpu.memory_space<vmem>>) dst(%dma_wait3A_306 : memref<18432xf32, #tpu.memory_space<hbm>>)
    %dma_wait3A_307 = arith.constant 0 : i32
    %dma_wait3A_308 = tpu.memref_slice %arg4[%dma_wait3A_307] : memref<28311552xf32, #tpu.memory_space<hbm>> -> memref<18432xf32, #tpu.memory_space<hbm>>
    %dma_wait3A_309 = arith.constant 0 : i32
    %dma_wait3A_310 = tpu.memref_slice %arg4[%dma_wait3A_309] : memref<28311552xf32, #tpu.memory_space<hbm>> -> memref<18432xf32, #tpu.memory_space<hbm>>
    tpu.wait_dma2 semaphore(%arg16 : memref<!tpu.dma_semaphore, #tpu.memory_space<semaphore_mem>>) src(%arg6 : memref<18432xf32, #tpu.memory_space<vmem>>) dst(%dma_wait3A_310 : memref<18432xf32, #tpu.memory_space<hbm>>)
    %dma_wait3A_311 = arith.constant 0 : i32
    %dma_wait3A_312 = tpu.memref_slice %arg4[%dma_wait3A_311] : memref<28311552xf32, #tpu.memory_space<hbm>> -> memref<18432xf32, #tpu.memory_space<hbm>>
    %dma_wait3A_313 = arith.constant 0 : i32
    %dma_wait3A_314 = tpu.memref_slice %arg4[%dma_wait3A_313] : memref<28311552xf32, #tpu.memory_space<hbm>> -> memref<18432xf32, #tpu.memory_space<hbm>>
    tpu.wait_dma2 semaphore(%arg17 : memref<!tpu.dma_semaphore, #tpu.memory_space<semaphore_mem>>) src(%arg7 : memref<18432xf32, #tpu.memory_space<vmem>>) dst(%dma_wait3A_314 : memref<18432xf32, #tpu.memory_space<hbm>>)
    %dma_wait3A_315 = arith.constant 0 : i32
    %dma_wait3A_316 = tpu.memref_slice %arg4[%dma_wait3A_315] : memref<28311552xf32, #tpu.memory_space<hbm>> -> memref<18432xf32, #tpu.memory_space<hbm>>
    %dma_wait3A_317 = arith.constant 0 : i32
    %dma_wait3A_318 = tpu.memref_slice %arg4[%dma_wait3A_317] : memref<28311552xf32, #tpu.memory_space<hbm>> -> memref<18432xf32, #tpu.memory_space<hbm>>
    tpu.wait_dma2 semaphore(%arg18 : memref<!tpu.dma_semaphore, #tpu.memory_space<semaphore_mem>>) src(%arg8 : memref<18432xf32, #tpu.memory_space<vmem>>) dst(%dma_wait3A_318 : memref<18432xf32, #tpu.memory_space<hbm>>)
    return
  }
}

</mosaic_0001>

<sc_bundles>
// kernel: kernel.3.cloned.1.call-start
scs
__scs_entry_jumppad:
0x0: {  	(pc) =	sbr.rel $0x88, $3  }
0x1: {  	(tag) =	ssettag $0x0;
	lr =	simm.s32 $0x1  }
0x2: {  	[smem:$0x3F9F] =	sst lr;
	_ =	strace $0xD0000000  }
0x3: {  	_ = 	snop  }
0x4: {  	_ = 	snop  }
0x5: {  	_ = 	snop  }
0x6: {  	_ = 	snop  }
0x7: {  	_ = 	snop  }
__scs_overlays_trampoline_lowered:
0x8: {  	[smem:$0x3FAE] =	sst s0  }
0x9: {  	[smem:$0x3FAF] =	sst s1  }
0xa: {  	[smem:$0x3FB0] =	sst s2  }
0xb: {  	[smem:$0x3FB1] =	sst s3  }
0xc: {  	[smem:$0x3FB2] =	sst s4  }
0xd: {  	[smem:$0x3FB3] =	sst s5  }
0xe: {  	[smem:$0x3FB4] =	sst s6  }
0xf: {  	[smem:$0x3FB5] =	sst s7  }
0x10: {  	[smem:$0x3FB6] =	sst s8  }
0x11: {  	[smem:$0x3FB7] =	sst s9;
	s0 =	simm.s32 @!p0 $0x0  }
0x12: {  	s1 =	sld [smem:$0x3F9D];
	s0 =	simm.s32 @p0 $0x1  }
0x13: {  	[smem:$0x3FB8] =	sst s0;
	s0 =	simm.s32 @!p1 $0x0  }
0x14: {  	s2 =	sld [smem:$0x3F9C];
	s0 =	simm.s32 @p1 $0x1  }
0x15: {  	[smem:$0x3FB9] =	sst s0;
	s0 =	simm.s32 @!p2 $0x0  }
0x16: {  	s3 =	sld [smem:$0x3FDB];
	s0 =	simm.s32 @p2 $0x1  }
0x17: {  	s4 =	simm.s32 $0x1BF5;
	[smem:$0x3FBB] =	sst s0  }
0x18: {  	s0 =	sld [smem:$0x3F9E];
	_ =	swait.ge [sflag:s4], $0x0  }
0x19: {  	s7 =	sld [smem:$0x3F9F]  }
0x1a: {  	s8 =	sadd.s32 $0xFFFFE003, lr  }
0x1b: {  	s9 =	sadd.s32 $0xFFFFFEF7, lr;
	s5 =	simm.s32 $0xFFFFFFFF;
	p2 =	slt.u32 s8, $0xFFFFF086  }
0x1c: {  	p1 =	slt.u32 s9, $0xF7A;
	s5 =	simm.s32 @!p2 $0x0  }
0x1d: {  	s5 =	simm.s32 @p1 $0x1;
	p0 =	seq.s32 s7, s2  }
0x1e: {  	s7 =	smul.u32 @!p0 $0xF7A, s2;
	p2 =	seq.s32 @!p0 s5, $0x0  }
0x1f: {  	s9 =	smul.u32 $0xF7A, s1;
	s8 =	simm.s32 @!p0 $0x1BF5;
	p2 =	por !p2, p0  }
0x20: {  	[sflag:s8] =	ssyncset.s32 @!p0 $0xFFFFF086;
	s6 =	sadd.s32 @!p0 s3, s7;
	s7 =	simm.s32 @!p0 $0x108  }
0x21: {  	s3 =	sadd.s32 s3, s9;
	s6 =	sadd.s32 @!p0 $0x88, s6;
	s7 =	simm.s32 @p2 $0x1082  }
0x22: {  	[simem:s7], [sflag:s8] =	dma.local @!p0 [hbm:s6], $0xF7A  }
0x23: {  	s9 =	sor.u32 $0xD0000000, s2;
	s6 =	simm.s32 $0x108;
	_ =	swait.ge @!p0 [sflag:s8], $0x0  }
0x24: {  	s3 =	sadd.s32 $0x88, s3;
	s6 =	simm.s32 @!p1 $0x1082;
	[sflag:s4] =	ssyncset.s32 $0xFFFFF086  }
0x25: {  	[simem:s6], [sflag:s4] =	dma.local [hbm:s3], $0xF7A  }
0x26: {  	[smem:$0x3F9F] =	sst s1;
	(tag) =	ssettag s2;
	_ =	strace s9  }
0x27: {  	s1 =	sld [smem:$0x3FAF]  }
0x28: {  	s2 =	sld [smem:$0x3FB0]  }
0x29: {  	s4 =	sld [smem:$0x3FB2]  }
0x2a: {  	p0 =	seq.s32 s5, $0x0;
	s5 =	sld [smem:$0x3FB3]  }
0x2b: {  	s6 =	sld [smem:$0x3FB4]  }
0x2c: {  	s7 =	sld [smem:$0x3FB5]  }
0x2d: {  	s3 =	simm.s32 $0x108;
	s8 =	sld [smem:$0x3FB6]  }
0x2e: {  	s3 =	simm.s32 @!p0 $0x1082;
	s9 =	sld [smem:$0x3FB7]  }
0x2f: {  	lr =	sadd.s32 s0, s3;
	s0 =	sld [smem:$0x3FAE]  }
0x30: {  	s3 =	sld [smem:$0x3FB1]  }
0x31: {  	[smem:$0x3FBA] =	sst s10  }
0x32: {  	s10 =	sld [smem:$0x3FB8];
	_ =	sdelay $0x3  }
0x33: {  	p0 =	seq.s32 s10, $0x1;
	s10 =	sld [smem:$0x3FBA];
	_ =	sdelay $0x3  }
0x34: {  	[smem:$0x3FBA] =	sst s10  }
0x35: {  	s10 =	sld [smem:$0x3FB9];
	_ =	sdelay $0x3  }
0x36: {  	p1 =	seq.s32 s10, $0x1;
	s10 =	sld [smem:$0x3FBA];
	_ =	sdelay $0x3  }
0x37: {  	[smem:$0x3FBA] =	sst s10  }
0x38: {  	s10 =	sld [smem:$0x3FBB]  }
0x39: {  	_ = 	snop;
	(pc) =	sbr.ind lr, $3  }
0x3a: {  	_ = 	snop  }
0x3b: {  	_ = 	snop  }
0x3c: {  	p2 =	seq.s32 s10, $0x1;
	s10 =	sld [smem:$0x3FBA]  }
0x3d: {  	_ =	shalt  }
0x3e: {  	_ =	shalt  }
0x3f: {  	_ =	shalt  }
0x40: {  	_ =	shalt  }
0x41: {  	_ =	shalt  }
0x42: {  	_ =	shalt  }
0x43: {  	_ =	shalt  }
0x44: {  	_ =	shalt  }
0x45: {  	_ =	shalt  }
0x46: {  	_ =	shalt  }
0x47: {  	_ =	shalt  }
0x48: {  	_ =	shalt  }
0x49: {  	_ =	shalt  }
0x4a: {  	_ =	shalt  }
0x4b: {  	_ =	shalt  }
0x4c: {  	_ =	shalt  }
0x4d: {  	_ =	shalt  }
0x4e: {  	_ =	shalt  }
0x4f: {  	_ =	shalt  }
0x50: {  	_ =	shalt  }
0x51: {  	_ =	shalt  }
0x52: {  	_ =	shalt  }
0x53: {  	_ =	shalt  }
0x54: {  	_ =	shalt  }
0x55: {  	_ =	shalt  }
0x56: {  	_ =	shalt  }
0x57: {  	_ =	shalt  }
0x58: {  	_ =	shalt  }
0x59: {  	_ =	shalt  }
0x5a: {  	_ =	shalt  }
0x5b: {  	_ =	shalt  }
0x5c: {  	_ =	shalt  }
0x5d: {  	_ =	shalt  }
0x5e: {  	_ =	shalt  }
0x5f: {  	_ =	shalt  }
0x60: {  	_ =	shalt  }
0x61: {  	_ =	shalt  }
0x62: {  	_ =	shalt  }
0x63: {  	_ =	shalt  }
0x64: {  	_ =	shalt  }
0x65: {  	_ =	shalt  }
0x66: {  	_ =	shalt  }
0x67: {  	_ =	shalt  }
0x68: {  	_ =	shalt  }
0x69: {  	_ =	shalt  }
0x6a: {  	_ =	shalt  }
0x6b: {  	_ =	shalt  }
0x6c: {  	_ =	shalt  }
0x6d: {  	_ =	shalt  }
0x6e: {  	_ =	shalt  }
0x6f: {  	_ =	shalt  }
0x70: {  	_ =	shalt  }
0x71: {  	_ =	shalt  }
0x72: {  	_ =	shalt  }
0x73: {  	_ =	shalt  }
0x74: {  	_ =	shalt  }
0x75: {  	_ =	shalt  }
0x76: {  	_ =	shalt  }
0x77: {  	_ =	shalt  }
0x78: {  	_ =	shalt  }
0x79: {  	_ =	shalt  }
0x7a: {  	_ =	shalt  }
0x7b: {  	_ =	shalt  }
0x7c: {  	_ =	shalt  }
0x7d: {  	_ =	shalt  }
0x7e: {  	_ =	shalt  }
0x7f: {  	_ =	shalt  }
0x80: {  	_ =	shalt  }
0x81: {  	_ =	shalt  }
0x82: {  	_ =	shalt  }
0x83: {  	_ =	shalt  }
0x84: {  	_ =	shalt  }
0x85: {  	_ =	shalt  }
0x86: {  	_ =	shalt  }
0x87: {  	_ =	shalt  }
.Lfunc_end0:
.L_simem_size_0:
called_computation_lowered:
.L_overlay_start_0:
0x88: {  	s2 =	sld [smem:$0x3FD9]  }
0x89: {  	s3 =	sld [smem:$0x3FFE];
	_ =	sdelay $0x1  }
0x8a: {  	s1 =	srdreg.scid  }
0x8b: {  	s0 =	sand.u32 $0x1, s1  }
0x8c: {  	s17 =	sshll.u32 s0, $0xA;
	s2 =	sadd.s32 s3, s2  }
0x8d: {  	s2 =	sadd.s32 s2, s17  }
0x8e: {  	[smem:$0x3FC6] =	sst s2  }
0x8f: {  	_ = 	snop  }
0x90: {  	s2 =	sld [smem:$0x3FD0];
	(tm) =	ssettm $0x1  }
0x91: {  	s18 =	sld [smem:$0x3FFB];
	_ =	sdelay $0x3  }
0x92: {  	_ =	strace s18  }
0x93: {  	s3 =	sld [smem:$0x3FFC];
	_ =	sdelay $0x3  }
0x94: {  	_ =	strace s3  }
0x95: {  	s3 =	sld [smem:$0x3FFD];
	_ =	sdelay $0x3  }
0x96: {  	_ =	strace s3  }
0x97: {  	_ =	strace $0x8FFFFFFF  }
0x98: {  	s19 =	sld [smem:$0x3FDB];
	_ =	sdelay $0x1  }
0x99: {  	s4 =	simm.s32 $_scs_section_size  }
0x9a: {  	s5 =	simm.s32 $_size__tile_overlayer_lowered;
	s6 =	simm.s32 $_tile_overlayer_lowered  }
0x9b: {  	s22 =	simm.s32 $0x1BFF;
	s21 =	sshll.u32 s6, $0x1;
	s3 =	sadd.s32 s4, s19  }
0x9c: {  	s7 =	simm.s32 $0x0;
	s20 =	sshll.u32 s5, $0x1;
	s5 =	sadd.s32 s21, s3  }
0x9d: {  	[timem:s7], [sflag:s22] =	dma.local [hbm:s5], s20  }
0x9e: {  	_ =	swait.ge [sflag:s22], s20  }
0x9f: {  	s4 =	ssub.s32 $0x0, s20;
	[sflag:s22] =	ssyncset.done $0x0  }
0xa0: {  	[sflag:s22] =	ssyncadd.s32 s4;
	_ =	sdelay $0x1  }
0xa1: {  	s23 =	simm.s32 $0x1B8B  }
0xa2: {  	_ =	swait.ge [sflag:s23], $0x1  }
0xa3: {  	[sflag:s23] =	ssyncset.done $0x0  }
0xa4: {  	s25 =	simm.s32 $0x1B8E;
	s24 =	sld [smem:$0x3FFE];
	[sflag:s23] =	ssyncadd.s32 $0xFFFFFFFF  }
0xa5: {  	s26 =	simm.s32 $execute0_lowered;
	[smem:$0x3FD2] =	sst s25  }
0xa6: {  	s5 =	sshll.u32 s26, $0x1;
	_ =	strace $0x80000046;
	[dreg:$0x1] =	wrdreg $0xFFFFFFFF  }
0xa7: {  	s28 =	simm.s32 $_size_execute0_lowered;
	s3 =	sadd.s32 s3, s5;
	[dreg:$0x0] =	wrdreg $0x0  }
0xa8: {  	s5 =	sshll.u32 s28, $0x1;
	[dreg:$0x2] =	wrdreg s3  }
0xa9: {  	[dreg:$0x3] =	wrdreg s5  }
0xaa: {  	[dreg:$0x4] =	wrdreg $0xC0  }
0xab: {  	_ =	task [dreg:s7], $0x5FFFF  }
0xac: {  	[dreg:$0x1] =	wrdreg $0xFFFFFFFF  }
0xad: {  	[dreg:$0x0] =	wrdreg $0x60  }
0xae: {  	[dreg:$0x2] =	wrdreg s2  }
0xaf: {  	[dreg:$0x3] =	wrdreg s24  }
0xb0: {  	[dreg:$0x4] =	wrdreg $0x9  }
0xb1: {  	_ =	task.clear_ibuf [dreg:s7], $0x5FFFF;
	_ =	strace $0x90000046  }
0xb2: {  	s29 =	simm.s32 $0x9;
	_ =	strace $0x80000048  }
0xb3: {  	_ =	swait.ge [sflag:s29], $0x1  }
0xb4: {  	[sflag:s29] =	ssyncadd.s32 $0xFFFFFFFF  }
0xb5: {  	_ =	strace $0x90000048  }
0xb6: {  	_ =	sfence  }
0xb7: {  	s30 =	sld [smem:$0x0];
	_ =	sdelay $0x2  }
0xb8: {  	s31 =	sshll.u32 s1, $0xD;
	s1 =	sshrl.u32 s1, $0x2  }
0xb9: {  	s3 =	sand.u32 $0x4000, s31;
	s1 =	sadd.s32 s1, s30  }
0xba: {  	s0 =	sor.u32 s3, s0;
	s1 =	sshll.u32 s1, $0x11  }
0xbb: {  	s0 =	sor.u32 s1, s0  }
0xbc: {  	s0 =	sadd.s32 $0x8F2B, s0  }
0xbd: {  	[sflag:s0] =	ssyncadd.remote.s32 $0x1  }
0xbe: {  	_ =	sfence.sel $0xFFFF  }
0xbf: {  	[dreg:$0x0] =	wrdreg $0xFFFFFFFF;
	(pc) =	sbr.abs _section_cstart, $3  }
0xc0: {  	[dreg:$0x1] =	wrdreg $0xFFFFFFFF  }
0xc1: {  	_ =	task.clear_ibuf [dreg:s7], $0x2FFFF;
	_ =	strace $0x9FFFFFFF  }
0xc2: {  	(tm) =	ssettm $0x7FFFFFFF  }
0xc3: {  	_ =	shalt  }
tec
execute0_lowered:
.L_overlay_start_1:
0x0: {  	(tag) =	ssettag $0x1  }
0x1: {  	s2 =	rddreg [dreg:$0x0];
	s0 =	srdreg.scid  }
0x2: {  	s3 =	stileid.u32;
	s1 =	rddreg [dreg:$0x1]  }
0x3: {  	s29 =	simm.s32 $0x12000;
	s30 =	simm.s32 $0x4800;
	s31 =	simm.s32 $0x9000  }
0x4: {  	s0 =	sand.u32 $0x1, s0;
	s4 =	sshll.u32 s3, $0x1;
	s3 =	simm.s32 $0x0  }
0x5: {  	s5 =	sadd.s32 $0x400, s1;
	s6 =	sadd.s32 $0xDC00, s1;
	s17 =	sadd.s32 $0xD00, s1  }
0x6: {  	s19 =	sadd.s32 $0x1600, s1;
	s1 =	sadd.s32 $0xD300, s1;
	[smem:$0x7FF] =	sst s3  }
0x7: {  	s4 =	sor.u32 s0, s4;
	_ =	strace $0x80000047;
	[dreg:$0x5] =	wrdreg s17  }
0x8: {  	s0 =	ssub.s32 $0x2, s0;
	s4 =	smul.u32 $0xD8000, s4;
	[dreg:$0x9] =	wrdreg s19  }
0x9: {  	s15 =	simm.s32 $0x3;
	s8 =	sshrl.u32 s0, $0x1;
	[dreg:$0xe] =	wrdreg s1  }
0xa: {  	s17 =	simm.s32 $0x4;
	s0 =	ssub.s32 s0, s8;
	s7 =	sadd.s32 $0x6C000, s4  }
0xb: {  	s9 =	sshrl.u32 s4, $0x3;
	s0 =	smax.u32 s0, $0x1;
	s10 =	sshrl.u32 s7, $0x3  }
0xc: {  	s16 =	sor.u32 $0x900, s9;
	[dreg:$0x12] =	wrdreg s0;
	s11 =	sadd.s32 s2, s10  }
0xd: {  	s13 =	sadd.s32 $0xE100, s9;
	s12 =	sadd.s32 s2, s16;
	[dreg:$0x3] =	wrdreg s11  }
0xe: {  	s19 =	simm.s32 $0x8;
	s14 =	sadd.s32 s2, s13;
	[dreg:$0x4] =	wrdreg s12  }
0xf: {  	s8 =	sadd.s32 s2, s9;
	s10 =	sadd.s32 s6, s10;
	[dreg:$0x6] =	wrdreg s14  }
0x10: {  	s25 =	sadd.s32 $0x1A700, s9;
	s18 =	sadd.s32 $0x1200, s8;
	[dreg:$0x7] =	wrdreg s10  }
0x11: {  	s0 =	simm.s32 $0x16800;
	s20 =	sadd.s32 s6, s16;
	[dreg:$0x8] =	wrdreg s18  }
0x12: {  	s21 =	sadd.s32 $0xEA00, s8;
	s22 =	sadd.s32 s6, s13;
	[dreg:$0xa] =	wrdreg s20  }
0x13: {  	s23 =	sadd.s32 $0x1B00, s8;
	s1 =	sadd.s32 s6, s25;
	[dreg:$0xb] =	wrdreg s21  }
0x14: {  	s13 =	simm.s32 $0x5;
	s16 =	simm.s32 $0x6;
	[dreg:$0xc] =	wrdreg s22  }
0x15: {  	s12 =	sadd.s32 s6, s9;
	[dreg:$0xd] =	wrdreg s23;
	s9 =	sadd.s32 s2, s25  }
0x16: {  	[dreg:$0x11] =	wrdreg s1;
	s1 =	simm.s32 $0x9;
	s10 =	simm.s32 $0xD800  }
0x17: {  	s11 =	simm.s32 $0x2;
	s24 =	sadd.s32 $0xC600, s12;
	[dreg:$0x10] =	wrdreg s9  }
0x18: {  	s14 =	simm.s32 $0xA;
	s26 =	sadd.s32 $0x19E00, s12;
	[dreg:$0xf] =	wrdreg s24  }
0x19: {  	s18 =	simm.s32 $0x7;
	s28 =	sadd.s32 $0xCF00, s12;
	[dreg:$0x13] =	wrdreg s26  }
0x1a: {  	s20 =	simm.s32 $0x0;
	s9 =	simm.s32 $0x1;
	[dreg:$0x14] =	wrdreg s28  }
.LBB2_1:
0x1b: {  	[tilespmem:s29], [sflag:$0x9] =	stream.linear.gather [hbm4b:s5+s3], $0x4800, $0x38;
	[tilespmem:$0x1B000] =	vst v63  }
0x1c: {  	_ = 	snop  }
0x1d: {  	[tilespmem:s3], [sflag:$0x1] =	stream.linear.gather [hbm4b:s8+s3], $0x4800, $0x38;
	[tilespmem:$0x1B000] =	vst v63  }
0x1e: {  	s21 =	rddreg [dreg:$0x3]  }
0x1f: {  	[tilespmem:s30], [sflag:$0x2] =	stream.linear.gather [hbm4b:s21+s3], $0x4800, $0x38;
	[tilespmem:$0x1B000] =	vst v63  }
0x20: {  	s26 =	rddreg [dreg:$0x4]  }
0x21: {  	[tilespmem:s31], [sflag:$0x3] =	stream.linear.gather [hbm4b:s26+s3], $0x4800, $0x38;
	[tilespmem:$0x1B000] =	vst v63  }
0x22: {  	_ =	swait.ge [sflag:s1], $0x4800  }
0x23: {  	[sflag:s1] =	ssyncset.done $0x0  }
0x24: {  	s28 =	rddreg [dreg:$0x5];
	[sflag:s1] =	ssyncadd.s32 $0xFFFFB800  }
0x25: {  	[tilespmem:s0], [sflag:$0xA] =	stream.linear.gather [hbm4b:s28+s3], $0x4800, $0x38;
	[tilespmem:$0x1B000] =	vst v63  }
0x26: {  	_ =	swait.ge [sflag:s9], $0x4800  }
0x27: {  	[sflag:s9] =	ssyncset.done $0x0  }
0x28: {  	s22 =	simm.s32 $0x200;
	s21 =	simm.s32 $0x0;
	[sflag:s9] =	ssyncadd.s32 $0xFFFFB800  }
.LBB2_2:
0x29: {  	p0 =	sne.s32 s22, $0x11E00;
	v0 =	vld [tilespmem:s21+$0x12070]  }
0x2a: {  	v1 =	vld [tilespmem:s21+$0x12000]  }
0x2b: {  	v2 =	vld [tilespmem:s21+$0x12010]  }
0x2c: {  	v3 =	vld [tilespmem:s21+$0x12020]  }
0x2d: {  	v4 =	vld [tilespmem:s21+$0x12030]  }
0x2e: {  	[tilespmem:s21+$0x70] =	vst.add.f32.msk $0xffff, v0  }
0x2f: {  	v0 =	vld [tilespmem:s21+$0x12040]  }
0x30: {  	v5 =	vld [tilespmem:s21+$0x12050]  }
0x31: {  	v6 =	vld [tilespmem:s21+$0x12060]  }
0x32: {  	[tilespmem:s21+$0x0] =	vst.add.f32.msk $0xffff, v1  }
0x33: {  	[tilespmem:s21+$0x10] =	vst.add.f32.msk $0xffff, v2  }
.Ltmp0:
0x34: {  	[tilespmem:s21+$0x20] =	vst.add.f32.msk $0xffff, v3;
	(pc) =	sbr.rel @p0 .LBB2_2-.Ltmp0, $4  }
0x35: {  	[tilespmem:s21+$0x30] =	vst.add.f32.msk $0xffff, v4  }
0x36: {  	[tilespmem:s21+$0x40] =	vst.add.f32.msk $0xffff, v0  }
0x37: {  	[tilespmem:s21+$0x50] =	vst.add.f32.msk $0xffff, v5  }
0x38: {  	[tilespmem:s21+$0x60] =	vst.add.f32.msk $0xffff, v6;
	s21 =	sshra.s32 s22, $0x2;
	s22 =	sadd.s32 $0x200, s22  }
0x39: {  	v0 =	vld [tilespmem:s21+$0x12070]  }
0x3a: {  	v1 =	vld [tilespmem:s21+$0x12000]  }
0x3b: {  	v2 =	vld [tilespmem:s21+$0x12010]  }
0x3c: {  	v3 =	vld [tilespmem:s21+$0x12020]  }
0x3d: {  	v4 =	vld [tilespmem:s21+$0x12030]  }
0x3e: {  	v63 =	vld [tilespmem:s21+$0x12040]  }
0x3f: {  	v5 =	vld [tilespmem:s21+$0x12050]  }
0x40: {  	v6 =	vld [tilespmem:s21+$0x12060]  }
0x41: {  	[tilespmem:s21+$0x70] =	vst.add.f32.msk $0xffff, v0  }
0x42: {  	[tilespmem:s21+$0x0] =	vst.add.f32.msk $0xffff, v1  }
0x43: {  	[tilespmem:s21+$0x10] =	vst.add.f32.msk $0xffff, v2  }
0x44: {  	[tilespmem:s21+$0x20] =	vst.add.f32.msk $0xffff, v3  }
0x45: {  	[tilespmem:s21+$0x30] =	vst.add.f32.msk $0xffff, v4  }
0x46: {  	[tilespmem:s21+$0x40] =	vst.add.f32.msk $0xffff, v63  }
0x47: {  	[tilespmem:s21+$0x50] =	vst.add.f32.msk $0xffff, v5  }
0x48: {  	s28 =	simm.s32 $0x0;
	[tilespmem:s21+$0x60] =	vst.add.f32.msk $0xffff, v6  }
0x49: {  	[hbm4b:s12+s28] =	stream.linear.scatter [tilespmem:s28], [sflag:$0x5], $0x4800, $0x38;
	[tilespmem:$0x1B000] =	vst v63  }
0x4a: {  	s22 =	rddreg [dreg:$0x6]  }
0x4b: {  	[tilespmem:s10], [sflag:$0x4] =	stream.linear.gather [hbm4b:s22+s28], $0x4800, $0x38;
	[tilespmem:$0x1B000] =	vst v63  }
0x4c: {  	_ =	swait.ge [sflag:s11], $0x4800  }
0x4d: {  	[sflag:s11] =	ssyncset.done $0x0  }
0x4e: {  	s21 =	simm.s32 $0x0;
	s22 =	simm.s32 $0x200;
	[sflag:s11] =	ssyncadd.s32 $0xFFFFB800  }
.LBB2_4:
0x4f: {  	p0 =	sne.s32 s22, $0x11E00;
	v0 =	vld [tilespmem:s21+$0x12070]  }
0x50: {  	v1 =	vld [tilespmem:s21+$0x12000]  }
0x51: {  	v2 =	vld [tilespmem:s21+$0x12010]  }
0x52: {  	v3 =	vld [tilespmem:s21+$0x12020]  }
0x53: {  	v4 =	vld [tilespmem:s21+$0x12030]  }
0x54: {  	[tilespmem:s21+$0x4870] =	vst.add.f32.msk $0xffff, v0  }
0x55: {  	v0 =	vld [tilespmem:s21+$0x12040]  }
0x56: {  	v5 =	vld [tilespmem:s21+$0x12050]  }
0x57: {  	v6 =	vld [tilespmem:s21+$0x12060]  }
0x58: {  	[tilespmem:s21+$0x4800] =	vst.add.f32.msk $0xffff, v1  }
0x59: {  	[tilespmem:s21+$0x4810] =	vst.add.f32.msk $0xffff, v2  }
.Ltmp1:
0x5a: {  	[tilespmem:s21+$0x4820] =	vst.add.f32.msk $0xffff, v3;
	(pc) =	sbr.rel @p0 .LBB2_4-.Ltmp1, $4  }
0x5b: {  	[tilespmem:s21+$0x4830] =	vst.add.f32.msk $0xffff, v4  }
0x5c: {  	[tilespmem:s21+$0x4840] =	vst.add.f32.msk $0xffff, v0  }
0x5d: {  	[tilespmem:s21+$0x4850] =	vst.add.f32.msk $0xffff, v5  }
0x5e: {  	[tilespmem:s21+$0x4860] =	vst.add.f32.msk $0xffff, v6;
	s21 =	sshra.s32 s22, $0x2;
	s22 =	sadd.s32 $0x200, s22  }
0x5f: {  	v0 =	vld [tilespmem:s21+$0x12070]  }
0x60: {  	v1 =	vld [tilespmem:s21+$0x12000]  }
0x61: {  	v2 =	vld [tilespmem:s21+$0x12010]  }
0x62: {  	v3 =	vld [tilespmem:s21+$0x12020]  }
0x63: {  	v4 =	vld [tilespmem:s21+$0x12030]  }
0x64: {  	v63 =	vld [tilespmem:s21+$0x12040]  }
0x65: {  	v5 =	vld [tilespmem:s21+$0x12050]  }
0x66: {  	v6 =	vld [tilespmem:s21+$0x12060]  }
0x67: {  	[tilespmem:s21+$0x4870] =	vst.add.f32.msk $0xffff, v0  }
0x68: {  	[tilespmem:s21+$0x4800] =	vst.add.f32.msk $0xffff, v1  }
0x69: {  	[tilespmem:s21+$0x4810] =	vst.add.f32.msk $0xffff, v2  }
0x6a: {  	[tilespmem:s21+$0x4820] =	vst.add.f32.msk $0xffff, v3  }
0x6b: {  	[tilespmem:s21+$0x4830] =	vst.add.f32.msk $0xffff, v4  }
0x6c: {  	[tilespmem:s21+$0x4840] =	vst.add.f32.msk $0xffff, v63  }
0x6d: {  	[tilespmem:s21+$0x4850] =	vst.add.f32.msk $0xffff, v5  }
0x6e: {  	s25 =	simm.s32 $0x0;
	s22 =	rddreg [dreg:$0x7];
	[tilespmem:s21+$0x4860] =	vst.add.f32.msk $0xffff, v6  }
0x6f: {  	[hbm4b:s22+s25] =	stream.linear.scatter [tilespmem:s30], [sflag:$0x6], $0x4800, $0x38;
	[tilespmem:$0x1B000] =	vst v63  }
0x70: {  	_ =	swait.ge [sflag:s13], $0x4800  }
0x71: {  	[sflag:s13] =	ssyncset.done $0x0  }
0x72: {  	s26 =	rddreg [dreg:$0x8];
	[sflag:s13] =	ssyncadd.s32 $0xFFFFB800  }
0x73: {  	[tilespmem:s25], [sflag:$0x1] =	stream.linear.gather [hbm4b:s26+s25], $0x4800, $0x38;
	[tilespmem:$0x1B000] =	vst v63  }
0x74: {  	_ =	swait.ge [sflag:s14], $0x4800  }
0x75: {  	[sflag:s14] =	ssyncset.done $0x0  }
0x76: {  	s28 =	rddreg [dreg:$0x9];
	[sflag:s14] =	ssyncadd.s32 $0xFFFFB800  }
0x77: {  	[tilespmem:s29], [sflag:$0x9] =	stream.linear.gather [hbm4b:s28+s25], $0x4800, $0x38;
	[tilespmem:$0x1B000] =	vst v63  }
0x78: {  	_ =	swait.ge [sflag:s15], $0x4800  }
0x79: {  	[sflag:s15] =	ssyncset.done $0x0  }
0x7a: {  	s21 =	simm.s32 $0x0;
	s22 =	simm.s32 $0x200;
	[sflag:s15] =	ssyncadd.s32 $0xFFFFB800  }
.LBB2_6:
0x7b: {  	p0 =	sne.s32 s22, $0x11E00;
	v0 =	vld [tilespmem:s21+$0x16870]  }
0x7c: {  	v1 =	vld [tilespmem:s21+$0x16800]  }
0x7d: {  	v2 =	vld [tilespmem:s21+$0x16810]  }
0x7e: {  	v3 =	vld [tilespmem:s21+$0x16820]  }
0x7f: {  	v4 =	vld [tilespmem:s21+$0x16830]  }
0x80: {  	[tilespmem:s21+$0x9070] =	vst.add.f32.msk $0xffff, v0  }
0x81: {  	v0 =	vld [tilespmem:s21+$0x16840]  }
0x82: {  	v5 =	vld [tilespmem:s21+$0x16850]  }
0x83: {  	v6 =	vld [tilespmem:s21+$0x16860]  }
0x84: {  	[tilespmem:s21+$0x9000] =	vst.add.f32.msk $0xffff, v1  }
0x85: {  	[tilespmem:s21+$0x9010] =	vst.add.f32.msk $0xffff, v2  }
.Ltmp2:
0x86: {  	[tilespmem:s21+$0x9020] =	vst.add.f32.msk $0xffff, v3;
	(pc) =	sbr.rel @p0 .LBB2_6-.Ltmp2, $4  }
0x87: {  	[tilespmem:s21+$0x9030] =	vst.add.f32.msk $0xffff, v4  }
0x88: {  	[tilespmem:s21+$0x9040] =	vst.add.f32.msk $0xffff, v0  }
0x89: {  	[tilespmem:s21+$0x9050] =	vst.add.f32.msk $0xffff, v5  }
0x8a: {  	[tilespmem:s21+$0x9060] =	vst.add.f32.msk $0xffff, v6;
	s21 =	sshra.s32 s22, $0x2;
	s22 =	sadd.s32 $0x200, s22  }
0x8b: {  	v0 =	vld [tilespmem:s21+$0x16870]  }
0x8c: {  	v1 =	vld [tilespmem:s21+$0x16800]  }
0x8d: {  	v2 =	vld [tilespmem:s21+$0x16810]  }
0x8e: {  	v3 =	vld [tilespmem:s21+$0x16820]  }
0x8f: {  	v4 =	vld [tilespmem:s21+$0x16830]  }
0x90: {  	v63 =	vld [tilespmem:s21+$0x16840]  }
0x91: {  	v5 =	vld [tilespmem:s21+$0x16850]  }
0x92: {  	v6 =	vld [tilespmem:s21+$0x16860]  }
0x93: {  	[tilespmem:s21+$0x9070] =	vst.add.f32.msk $0xffff, v0  }
0x94: {  	[tilespmem:s21+$0x9000] =	vst.add.f32.msk $0xffff, v1  }
0x95: {  	[tilespmem:s21+$0x9010] =	vst.add.f32.msk $0xffff, v2  }
0x96: {  	[tilespmem:s21+$0x9020] =	vst.add.f32.msk $0xffff, v3  }
0x97: {  	[tilespmem:s21+$0x9030] =	vst.add.f32.msk $0xffff, v4  }
0x98: {  	[tilespmem:s21+$0x9040] =	vst.add.f32.msk $0xffff, v63  }
0x99: {  	[tilespmem:s21+$0x9050] =	vst.add.f32.msk $0xffff, v5  }
0x9a: {  	s26 =	simm.s32 $0x0;
	s22 =	rddreg [dreg:$0xa];
	[tilespmem:s21+$0x9060] =	vst.add.f32.msk $0xffff, v6  }
0x9b: {  	[hbm4b:s22+s26] =	stream.linear.scatter [tilespmem:s31], [sflag:$0x7], $0x4800, $0x38;
	[tilespmem:$0x1B000] =	vst v63  }
0x9c: {  	_ =	swait.ge [sflag:s16], $0x4800  }
0x9d: {  	[sflag:s16] =	ssyncset.done $0x0  }
0x9e: {  	s28 =	rddreg [dreg:$0xb];
	[sflag:s16] =	ssyncadd.s32 $0xFFFFB800  }
0x9f: {  	[tilespmem:s30], [sflag:$0x2] =	stream.linear.gather [hbm4b:s28+s26], $0x4800, $0x38;
	[tilespmem:$0x1B000] =	vst v63  }
0xa0: {  	_ =	swait.ge [sflag:s17], $0x4800  }
0xa1: {  	[sflag:s17] =	ssyncset.done $0x0  }
0xa2: {  	s21 =	simm.s32 $0x0;
	s22 =	simm.s32 $0x200;
	[sflag:s17] =	ssyncadd.s32 $0xFFFFB800  }
.LBB2_8:
0xa3: {  	p0 =	sne.s32 s22, $0x11E00;
	v0 =	vld [tilespmem:s21+$0x16870]  }
0xa4: {  	v1 =	vld [tilespmem:s21+$0x16800]  }
0xa5: {  	v2 =	vld [tilespmem:s21+$0x16810]  }
0xa6: {  	v3 =	vld [tilespmem:s21+$0x16820]  }
0xa7: {  	v4 =	vld [tilespmem:s21+$0x16830]  }
0xa8: {  	[tilespmem:s21+$0xD870] =	vst.add.f32.msk $0xffff, v0  }
0xa9: {  	v0 =	vld [tilespmem:s21+$0x16840]  }
0xaa: {  	v5 =	vld [tilespmem:s21+$0x16850]  }
0xab: {  	v6 =	vld [tilespmem:s21+$0x16860]  }
0xac: {  	[tilespmem:s21+$0xD800] =	vst.add.f32.msk $0xffff, v1  }
0xad: {  	[tilespmem:s21+$0xD810] =	vst.add.f32.msk $0xffff, v2  }
.Ltmp3:
0xae: {  	[tilespmem:s21+$0xD820] =	vst.add.f32.msk $0xffff, v3;
	(pc) =	sbr.rel @p0 .LBB2_8-.Ltmp3, $4  }
0xaf: {  	[tilespmem:s21+$0xD830] =	vst.add.f32.msk $0xffff, v4  }
0xb0: {  	[tilespmem:s21+$0xD840] =	vst.add.f32.msk $0xffff, v0  }
0xb1: {  	[tilespmem:s21+$0xD850] =	vst.add.f32.msk $0xffff, v5  }
0xb2: {  	[tilespmem:s21+$0xD860] =	vst.add.f32.msk $0xffff, v6;
	s21 =	sshra.s32 s22, $0x2;
	s22 =	sadd.s32 $0x200, s22  }
0xb3: {  	v0 =	vld [tilespmem:s21+$0x16870]  }
0xb4: {  	v1 =	vld [tilespmem:s21+$0x16800]  }
0xb5: {  	v2 =	vld [tilespmem:s21+$0x16810]  }
0xb6: {  	v3 =	vld [tilespmem:s21+$0x16820]  }
0xb7: {  	v4 =	vld [tilespmem:s21+$0x16830]  }
0xb8: {  	v63 =	vld [tilespmem:s21+$0x16840]  }
0xb9: {  	v5 =	vld [tilespmem:s21+$0x16850]  }
0xba: {  	v6 =	vld [tilespmem:s21+$0x16860]  }
0xbb: {  	[tilespmem:s21+$0xD870] =	vst.add.f32.msk $0xffff, v0  }
0xbc: {  	[tilespmem:s21+$0xD800] =	vst.add.f32.msk $0xffff, v1  }
0xbd: {  	[tilespmem:s21+$0xD810] =	vst.add.f32.msk $0xffff, v2  }
0xbe: {  	[tilespmem:s21+$0xD820] =	vst.add.f32.msk $0xffff, v3  }
0xbf: {  	[tilespmem:s21+$0xD830] =	vst.add.f32.msk $0xffff, v4  }
0xc0: {  	[tilespmem:s21+$0xD840] =	vst.add.f32.msk $0xffff, v63  }
0xc1: {  	[tilespmem:s21+$0xD850] =	vst.add.f32.msk $0xffff, v5  }
0xc2: {  	s26 =	rddreg [dreg:$0xc];
	[tilespmem:s21+$0xD860] =	vst.add.f32.msk $0xffff, v6  }
0xc3: {  	[hbm4b:s26+s3] =	stream.linear.scatter [tilespmem:s10], [sflag:$0x8], $0x4800, $0x38;
	[tilespmem:$0x1B000] =	vst v63  }
0xc4: {  	_ =	swait.ge [sflag:s18], $0x4800  }
0xc5: {  	[sflag:s18] =	ssyncset.done $0x0  }
0xc6: {  	s21 =	simm.s32 $0x1;
	s28 =	rddreg [dreg:$0xd];
	[sflag:s18] =	ssyncadd.s32 $0xFFFFB800  }
0xc7: {  	[tilespmem:s31], [sflag:$0x3] =	stream.linear.gather [hbm4b:s28+s3], $0x4800, $0x38;
	[tilespmem:$0x1B000] =	vst v63  }
.LBB2_10:
0xc8: {  	s23 =	sshllo.u32 s21, $0x1  }
0xc9: {  	_ =	swait.ge [sflag:s1], $0x4800;
	s22 =	smul.u32 $0x900, s23  }
0xca: {  	[sflag:s1] =	ssyncset.done $0x0  }
0xcb: {  	s24 =	simm.s32 $0x0;
	[sflag:s1] =	ssyncadd.s32 $0xFFFFB800;
	s22 =	sadd.s32 s5, s22  }
0xcc: {  	[tilespmem:s0], [sflag:$0xA] =	stream.linear.gather [hbm4b:s22+s24], $0x4800, $0x38;
	[tilespmem:$0x1B000] =	vst v63  }
0xcd: {  	_ =	swait.ge [sflag:s9], $0x4800  }
0xce: {  	[sflag:s9] =	ssyncset.done $0x0  }
0xcf: {  	s22 =	simm.s32 $0x0;
	s24 =	simm.s32 $0x200;
	[sflag:s9] =	ssyncadd.s32 $0xFFFFB800  }
.LBB2_11:
0xd0: {  	p0 =	sne.s32 s24, $0x11E00;
	v0 =	vld [tilespmem:s22+$0x12070]  }
0xd1: {  	v1 =	vld [tilespmem:s22+$0x12000]  }
0xd2: {  	v2 =	vld [tilespmem:s22+$0x12010]  }
0xd3: {  	v3 =	vld [tilespmem:s22+$0x12020]  }
0xd4: {  	v4 =	vld [tilespmem:s22+$0x12030]  }
0xd5: {  	[tilespmem:s22+$0x70] =	vst.add.f32.msk $0xffff, v0  }
0xd6: {  	v0 =	vld [tilespmem:s22+$0x12040]  }
0xd7: {  	v5 =	vld [tilespmem:s22+$0x12050]  }
0xd8: {  	v6 =	vld [tilespmem:s22+$0x12060]  }
0xd9: {  	[tilespmem:s22+$0x0] =	vst.add.f32.msk $0xffff, v1  }
0xda: {  	[tilespmem:s22+$0x10] =	vst.add.f32.msk $0xffff, v2  }
.Ltmp4:
0xdb: {  	[tilespmem:s22+$0x20] =	vst.add.f32.msk $0xffff, v3;
	(pc) =	sbr.rel @p0 .LBB2_11-.Ltmp4, $4  }
0xdc: {  	[tilespmem:s22+$0x30] =	vst.add.f32.msk $0xffff, v4  }
0xdd: {  	[tilespmem:s22+$0x40] =	vst.add.f32.msk $0xffff, v0  }
0xde: {  	[tilespmem:s22+$0x50] =	vst.add.f32.msk $0xffff, v5  }
0xdf: {  	[tilespmem:s22+$0x60] =	vst.add.f32.msk $0xffff, v6;
	s22 =	sshra.s32 s24, $0x2;
	s24 =	sadd.s32 $0x200, s24  }
0xe0: {  	v0 =	vld [tilespmem:s22+$0x12070]  }
0xe1: {  	v1 =	vld [tilespmem:s22+$0x12000]  }
0xe2: {  	v2 =	vld [tilespmem:s22+$0x12010]  }
0xe3: {  	v3 =	vld [tilespmem:s22+$0x12020]  }
0xe4: {  	v4 =	vld [tilespmem:s22+$0x12030]  }
0xe5: {  	v63 =	vld [tilespmem:s22+$0x12040]  }
0xe6: {  	v5 =	vld [tilespmem:s22+$0x12050]  }
0xe7: {  	v6 =	vld [tilespmem:s22+$0x12060]  }
0xe8: {  	[tilespmem:s22+$0x70] =	vst.add.f32.msk $0xffff, v0  }
0xe9: {  	[tilespmem:s22+$0x0] =	vst.add.f32.msk $0xffff, v1  }
0xea: {  	[tilespmem:s22+$0x10] =	vst.add.f32.msk $0xffff, v2  }
0xeb: {  	s24 =	smul.u32 $0x9000, s21;
	[tilespmem:s22+$0x20] =	vst.add.f32.msk $0xffff, v3  }
0xec: {  	[tilespmem:s22+$0x30] =	vst.add.f32.msk $0xffff, v4  }
0xed: {  	s25 =	sadd.s32 s4, s24;
	[tilespmem:s22+$0x40] =	vst.add.f32.msk $0xffff, v63  }
0xee: {  	s25 =	sshrl.u32 s25, $0x3;
	[tilespmem:s22+$0x50] =	vst.add.f32.msk $0xffff, v5  }
0xef: {  	s26 =	simm.s32 $0x0;
	s28 =	sadd.s32 s6, s25;
	[tilespmem:s22+$0x60] =	vst.add.f32.msk $0xffff, v6  }
0xf0: {  	[hbm4b:s28+s26] =	stream.linear.scatter [tilespmem:s26], [sflag:$0x5], $0x4800, $0x38;
	[tilespmem:$0x1B000] =	vst v63  }
0xf1: {  	_ =	swait.ge [sflag:s19], $0x4800  }
0xf2: {  	s22 =	sadd.s32 $0xE100, s25;
	[sflag:s19] =	ssyncset.done $0x0  }
0xf3: {  	s25 =	sadd.s32 s2, s22;
	[sflag:s19] =	ssyncadd.s32 $0xFFFFB800  }
0xf4: {  	[tilespmem:s10], [sflag:$0x4] =	stream.linear.gather [hbm4b:s25+s26], $0x4800, $0x38;
	[tilespmem:$0x1B000] =	vst v63  }
0xf5: {  	_ =	swait.ge [sflag:s11], $0x4800  }
0xf6: {  	[sflag:s11] =	ssyncset.done $0x0  }
0xf7: {  	s25 =	simm.s32 $0x0;
	s26 =	simm.s32 $0x200;
	[sflag:s11] =	ssyncadd.s32 $0xFFFFB800  }
.LBB2_13:
0xf8: {  	p0 =	sne.s32 s26, $0x11E00;
	v0 =	vld [tilespmem:s25+$0x12070]  }
0xf9: {  	v1 =	vld [tilespmem:s25+$0x12000]  }
0xfa: {  	v2 =	vld [tilespmem:s25+$0x12010]  }
0xfb: {  	v3 =	vld [tilespmem:s25+$0x12020]  }
0xfc: {  	v4 =	vld [tilespmem:s25+$0x12030]  }
0xfd: {  	[tilespmem:s25+$0x4870] =	vst.add.f32.msk $0xffff, v0  }
0xfe: {  	v0 =	vld [tilespmem:s25+$0x12040]  }
0xff: {  	v5 =	vld [tilespmem:s25+$0x12050]  }
0x100: {  	v6 =	vld [tilespmem:s25+$0x12060]  }
0x101: {  	[tilespmem:s25+$0x4800] =	vst.add.f32.msk $0xffff, v1  }
0x102: {  	[tilespmem:s25+$0x4810] =	vst.add.f32.msk $0xffff, v2  }
.Ltmp5:
0x103: {  	[tilespmem:s25+$0x4820] =	vst.add.f32.msk $0xffff, v3;
	(pc) =	sbr.rel @p0 .LBB2_13-.Ltmp5, $4  }
0x104: {  	[tilespmem:s25+$0x4830] =	vst.add.f32.msk $0xffff, v4  }
0x105: {  	[tilespmem:s25+$0x4840] =	vst.add.f32.msk $0xffff, v0  }
0x106: {  	[tilespmem:s25+$0x4850] =	vst.add.f32.msk $0xffff, v5  }
0x107: {  	[tilespmem:s25+$0x4860] =	vst.add.f32.msk $0xffff, v6;
	s25 =	sshra.s32 s26, $0x2;
	s26 =	sadd.s32 $0x200, s26  }
0x108: {  	v0 =	vld [tilespmem:s25+$0x12070]  }
0x109: {  	v1 =	vld [tilespmem:s25+$0x12000]  }
0x10a: {  	v2 =	vld [tilespmem:s25+$0x12010]  }
0x10b: {  	v3 =	vld [tilespmem:s25+$0x12020]  }
0x10c: {  	v4 =	vld [tilespmem:s25+$0x12030]  }
0x10d: {  	v63 =	vld [tilespmem:s25+$0x12040]  }
0x10e: {  	v5 =	vld [tilespmem:s25+$0x12050]  }
0x10f: {  	v6 =	vld [tilespmem:s25+$0x12060]  }
0x110: {  	[tilespmem:s25+$0x4870] =	vst.add.f32.msk $0xffff, v0  }
0x111: {  	[tilespmem:s25+$0x4800] =	vst.add.f32.msk $0xffff, v1  }
0x112: {  	[tilespmem:s25+$0x4810] =	vst.add.f32.msk $0xffff, v2  }
0x113: {  	[tilespmem:s25+$0x4820] =	vst.add.f32.msk $0xffff, v3  }
0x114: {  	[tilespmem:s25+$0x4830] =	vst.add.f32.msk $0xffff, v4  }
0x115: {  	s26 =	sadd.s32 s24, s7;
	[tilespmem:s25+$0x4840] =	vst.add.f32.msk $0xffff, v63  }
0x116: {  	s26 =	sshrl.u32 s26, $0x3;
	[tilespmem:s25+$0x4850] =	vst.add.f32.msk $0xffff, v5  }
0x117: {  	s24 =	sadd.s32 $0x9000, s24;
	[tilespmem:s25+$0x4860] =	vst.add.f32.msk $0xffff, v6;
	s25 =	sadd.s32 s6, s26;
	s26 =	simm.s32 $0x0  }
0x118: {  	[hbm4b:s25+s26] =	stream.linear.scatter [tilespmem:s30], [sflag:$0x6], $0x4800, $0x38;
	[tilespmem:$0x1B000] =	vst v63  }
0x119: {  	s25 =	sadd.s32 s4, s24;
	_ =	swait.ge [sflag:s13], $0x4800  }
0x11a: {  	s25 =	sshrl.u32 s25, $0x3;
	[sflag:s13] =	ssyncset.done $0x0  }
0x11b: {  	s28 =	sadd.s32 s2, s25;
	s25 =	smul.u32 $0x4800, s23;
	[sflag:s13] =	ssyncadd.s32 $0xFFFFB800  }
0x11c: {  	[tilespmem:s26], [sflag:$0x1] =	stream.linear.gather [hbm4b:s28+s26], $0x4800, $0x38;
	[tilespmem:$0x1B000] =	vst v63  }
0x11d: {  	s23 =	sshrl.u32 s25, $0x3;
	_ =	swait.ge [sflag:s14], $0x4800  }
0x11e: {  	s23 =	sadd.s32 s5, s23;
	[sflag:s14] =	ssyncset.done $0x0  }
0x11f: {  	s23 =	sadd.s32 $0x900, s23;
	[sflag:s14] =	ssyncadd.s32 $0xFFFFB800  }
0x120: {  	[tilespmem:s29], [sflag:$0x9] =	stream.linear.gather [hbm4b:s23+s26], $0x4800, $0x38;
	[tilespmem:$0x1B000] =	vst v63  }
0x121: {  	_ =	swait.ge [sflag:s15], $0x4800  }
0x122: {  	s28 =	simm.s32 $0x200;
	[sflag:s15] =	ssyncset.done $0x0  }
0x123: {  	s23 =	sshll.u32 s21, $0x2;
	s26 =	simm.s32 $0x0;
	[sflag:s15] =	ssyncadd.s32 $0xFFFFB800  }
.LBB2_15:
0x124: {  	p0 =	sne.s32 s28, $0x11E00;
	v0 =	vld [tilespmem:s26+$0x16870]  }
0x125: {  	v1 =	vld [tilespmem:s26+$0x16800]  }
0x126: {  	v2 =	vld [tilespmem:s26+$0x16810]  }
0x127: {  	v3 =	vld [tilespmem:s26+$0x16820]  }
0x128: {  	v4 =	vld [tilespmem:s26+$0x16830]  }
0x129: {  	[tilespmem:s26+$0x9070] =	vst.add.f32.msk $0xffff, v0  }
0x12a: {  	v0 =	vld [tilespmem:s26+$0x16840]  }
0x12b: {  	v5 =	vld [tilespmem:s26+$0x16850]  }
0x12c: {  	v6 =	vld [tilespmem:s26+$0x16860]  }
0x12d: {  	[tilespmem:s26+$0x9000] =	vst.add.f32.msk $0xffff, v1  }
0x12e: {  	[tilespmem:s26+$0x9010] =	vst.add.f32.msk $0xffff, v2  }
.Ltmp6:
0x12f: {  	[tilespmem:s26+$0x9020] =	vst.add.f32.msk $0xffff, v3;
	(pc) =	sbr.rel @p0 .LBB2_15-.Ltmp6, $4  }
0x130: {  	[tilespmem:s26+$0x9030] =	vst.add.f32.msk $0xffff, v4  }
0x131: {  	[tilespmem:s26+$0x9040] =	vst.add.f32.msk $0xffff, v0  }
0x132: {  	[tilespmem:s26+$0x9050] =	vst.add.f32.msk $0xffff, v5  }
0x133: {  	[tilespmem:s26+$0x9060] =	vst.add.f32.msk $0xffff, v6;
	s26 =	sshra.s32 s28, $0x2;
	s28 =	sadd.s32 $0x200, s28  }
0x134: {  	v0 =	vld [tilespmem:s26+$0x16870]  }
0x135: {  	v1 =	vld [tilespmem:s26+$0x16800]  }
0x136: {  	v2 =	vld [tilespmem:s26+$0x16810]  }
0x137: {  	v3 =	vld [tilespmem:s26+$0x16820]  }
0x138: {  	v4 =	vld [tilespmem:s26+$0x16830]  }
0x139: {  	v63 =	vld [tilespmem:s26+$0x16840]  }
0x13a: {  	v5 =	vld [tilespmem:s26+$0x16850]  }
0x13b: {  	v6 =	vld [tilespmem:s26+$0x16860]  }
0x13c: {  	[tilespmem:s26+$0x9070] =	vst.add.f32.msk $0xffff, v0  }
0x13d: {  	[tilespmem:s26+$0x9000] =	vst.add.f32.msk $0xffff, v1  }
0x13e: {  	[tilespmem:s26+$0x9010] =	vst.add.f32.msk $0xffff, v2  }
0x13f: {  	[tilespmem:s26+$0x9020] =	vst.add.f32.msk $0xffff, v3  }
0x140: {  	[tilespmem:s26+$0x9030] =	vst.add.f32.msk $0xffff, v4  }
0x141: {  	s25 =	sadd.s32 s4, s25;
	[tilespmem:s26+$0x9040] =	vst.add.f32.msk $0xffff, v63  }
0x142: {  	s25 =	sshrl.u32 s25, $0x3;
	[tilespmem:s26+$0x9050] =	vst.add.f32.msk $0xffff, v5  }
0x143: {  	s28 =	simm.s32 $0x0;
	s25 =	sadd.s32 s6, s25;
	[tilespmem:s26+$0x9060] =	vst.add.f32.msk $0xffff, v6  }
0x144: {  	[hbm4b:s25+s28] =	stream.linear.scatter [tilespmem:s31], [sflag:$0x7], $0x4800, $0x38;
	[tilespmem:$0x1B000] =	vst v63  }
0x145: {  	s24 =	sadd.s32 s7, s24;
	_ =	swait.ge [sflag:s16], $0x4800  }
0x146: {  	s24 =	sshrl.u32 s24, $0x3;
	[sflag:s16] =	ssyncset.done $0x0  }
0x147: {  	s24 =	sadd.s32 s2, s24;
	[sflag:s16] =	ssyncadd.s32 $0xFFFFB800  }
0x148: {  	[tilespmem:s30], [sflag:$0x2] =	stream.linear.gather [hbm4b:s24+s28], $0x4800, $0x38;
	[tilespmem:$0x1B000] =	vst v63  }
0x149: {  	_ =	swait.ge [sflag:s17], $0x4800  }
0x14a: {  	[sflag:s17] =	ssyncset.done $0x0  }
0x14b: {  	s25 =	simm.s32 $0x200;
	s24 =	simm.s32 $0x0;
	[sflag:s17] =	ssyncadd.s32 $0xFFFFB800  }
.LBB2_17:
0x14c: {  	p0 =	sne.s32 s25, $0x11E00;
	v0 =	vld [tilespmem:s24+$0x16870]  }
0x14d: {  	v1 =	vld [tilespmem:s24+$0x16800]  }
0x14e: {  	v2 =	vld [tilespmem:s24+$0x16810]  }
0x14f: {  	v3 =	vld [tilespmem:s24+$0x16820]  }
0x150: {  	v4 =	vld [tilespmem:s24+$0x16830]  }
0x151: {  	[tilespmem:s24+$0xD870] =	vst.add.f32.msk $0xffff, v0  }
0x152: {  	v0 =	vld [tilespmem:s24+$0x16840]  }
0x153: {  	v5 =	vld [tilespmem:s24+$0x16850]  }
0x154: {  	v6 =	vld [tilespmem:s24+$0x16860]  }
0x155: {  	[tilespmem:s24+$0xD800] =	vst.add.f32.msk $0xffff, v1  }
0x156: {  	[tilespmem:s24+$0xD810] =	vst.add.f32.msk $0xffff, v2  }
.Ltmp7:
0x157: {  	[tilespmem:s24+$0xD820] =	vst.add.f32.msk $0xffff, v3;
	(pc) =	sbr.rel @p0 .LBB2_17-.Ltmp7, $4  }
0x158: {  	[tilespmem:s24+$0xD830] =	vst.add.f32.msk $0xffff, v4  }
0x159: {  	[tilespmem:s24+$0xD840] =	vst.add.f32.msk $0xffff, v0  }
0x15a: {  	[tilespmem:s24+$0xD850] =	vst.add.f32.msk $0xffff, v5  }
0x15b: {  	[tilespmem:s24+$0xD860] =	vst.add.f32.msk $0xffff, v6;
	s24 =	sshra.s32 s25, $0x2;
	s25 =	sadd.s32 $0x200, s25  }
0x15c: {  	v0 =	vld [tilespmem:s24+$0x16870]  }
0x15d: {  	v1 =	vld [tilespmem:s24+$0x16800]  }
0x15e: {  	v2 =	vld [tilespmem:s24+$0x16810]  }
0x15f: {  	v3 =	vld [tilespmem:s24+$0x16820]  }
0x160: {  	v4 =	vld [tilespmem:s24+$0x16830]  }
0x161: {  	v63 =	vld [tilespmem:s24+$0x16840]  }
0x162: {  	v5 =	vld [tilespmem:s24+$0x16850]  }
0x163: {  	v6 =	vld [tilespmem:s24+$0x16860]  }
0x164: {  	[tilespmem:s24+$0xD870] =	vst.add.f32.msk $0xffff, v0  }
0x165: {  	[tilespmem:s24+$0xD800] =	vst.add.f32.msk $0xffff, v1  }
0x166: {  	[tilespmem:s24+$0xD810] =	vst.add.f32.msk $0xffff, v2  }
0x167: {  	[tilespmem:s24+$0xD820] =	vst.add.f32.msk $0xffff, v3  }
0x168: {  	[tilespmem:s24+$0xD830] =	vst.add.f32.msk $0xffff, v4  }
0x169: {  	s23 =	sadd.s32 $0x6, s23;
	[tilespmem:s24+$0xD840] =	vst.add.f32.msk $0xffff, v63  }
0x16a: {  	s21 =	sadd.s32 $0x1, s21;
	s23 =	sshrl.u32 s23, $0x1;
	[tilespmem:s24+$0xD850] =	vst.add.f32.msk $0xffff, v5  }
0x16b: {  	s22 =	sadd.s32 s6, s22;
	p0 =	sne.s32 s21, $0xB;
	s23 =	smul.u32 $0x4800, s23;
	[tilespmem:s24+$0xD860] =	vst.add.f32.msk $0xffff, v6  }
0x16c: {  	[hbm4b:s22+s3] =	stream.linear.scatter [tilespmem:s10], [sflag:$0x8], $0x4800, $0x38;
	[tilespmem:$0x1B000] =	vst v63  }
.Ltmp8:
0x16d: {  	_ = 	snop;
	(pc) =	sbr.rel @p0 .LBB2_10-.Ltmp8, $4  }
0x16e: {  	s28 =	sadd.s32 s4, s23;
	_ =	swait.ge [sflag:s18], $0x4800  }
0x16f: {  	s22 =	sshrl.u32 s28, $0x3;
	[sflag:s18] =	ssyncset.done $0x0  }
0x170: {  	s22 =	sadd.s32 s2, s22;
	[sflag:s18] =	ssyncadd.s32 $0xFFFFB800  }
0x171: {  	[tilespmem:s31], [sflag:$0x3] =	stream.linear.gather [hbm4b:s22+s3], $0x4800, $0x38;
	[tilespmem:$0x1B000] =	vst v63  }
0x172: {  	_ =	swait.ge [sflag:s1], $0x4800  }
0x173: {  	[sflag:s1] =	ssyncset.done $0x0  }
0x174: {  	s21 =	simm.s32 $0x0;
	s22 =	rddreg [dreg:$0xe];
	[sflag:s1] =	ssyncadd.s32 $0xFFFFB800  }
0x175: {  	[tilespmem:s0], [sflag:$0xA] =	stream.linear.gather [hbm4b:s22+s21], $0x4800, $0x38;
	[tilespmem:$0x1B000] =	vst v63  }
0x176: {  	_ =	swait.ge [sflag:s9], $0x4800  }
0x177: {  	[sflag:s9] =	ssyncset.done $0x0  }
0x178: {  	s21 =	simm.s32 $0x0;
	s22 =	simm.s32 $0x200;
	[sflag:s9] =	ssyncadd.s32 $0xFFFFB800  }
.LBB2_20:
0x179: {  	p0 =	sne.s32 s22, $0x11E00;
	v0 =	vld [tilespmem:s21+$0x12070]  }
0x17a: {  	v1 =	vld [tilespmem:s21+$0x12000]  }
0x17b: {  	v2 =	vld [tilespmem:s21+$0x12010]  }
0x17c: {  	v3 =	vld [tilespmem:s21+$0x12020]  }
0x17d: {  	v4 =	vld [tilespmem:s21+$0x12030]  }
0x17e: {  	[tilespmem:s21+$0x70] =	vst.add.f32.msk $0xffff, v0  }
0x17f: {  	v0 =	vld [tilespmem:s21+$0x12040]  }
0x180: {  	v5 =	vld [tilespmem:s21+$0x12050]  }
0x181: {  	v6 =	vld [tilespmem:s21+$0x12060]  }
0x182: {  	[tilespmem:s21+$0x0] =	vst.add.f32.msk $0xffff, v1  }
0x183: {  	[tilespmem:s21+$0x10] =	vst.add.f32.msk $0xffff, v2  }
.Ltmp9:
0x184: {  	[tilespmem:s21+$0x20] =	vst.add.f32.msk $0xffff, v3;
	(pc) =	sbr.rel @p0 .LBB2_20-.Ltmp9, $4  }
0x185: {  	[tilespmem:s21+$0x30] =	vst.add.f32.msk $0xffff, v4  }
0x186: {  	[tilespmem:s21+$0x40] =	vst.add.f32.msk $0xffff, v0  }
0x187: {  	[tilespmem:s21+$0x50] =	vst.add.f32.msk $0xffff, v5  }
0x188: {  	[tilespmem:s21+$0x60] =	vst.add.f32.msk $0xffff, v6;
	s21 =	sshra.s32 s22, $0x2;
	s22 =	sadd.s32 $0x200, s22  }
0x189: {  	v0 =	vld [tilespmem:s21+$0x12070]  }
0x18a: {  	v1 =	vld [tilespmem:s21+$0x12000]  }
0x18b: {  	v2 =	vld [tilespmem:s21+$0x12010]  }
0x18c: {  	v3 =	vld [tilespmem:s21+$0x12020]  }
0x18d: {  	v4 =	vld [tilespmem:s21+$0x12030]  }
0x18e: {  	v63 =	vld [tilespmem:s21+$0x12040]  }
0x18f: {  	v5 =	vld [tilespmem:s21+$0x12050]  }
0x190: {  	v6 =	vld [tilespmem:s21+$0x12060]  }
0x191: {  	[tilespmem:s21+$0x70] =	vst.add.f32.msk $0xffff, v0  }
0x192: {  	[tilespmem:s21+$0x0] =	vst.add.f32.msk $0xffff, v1  }
0x193: {  	[tilespmem:s21+$0x10] =	vst.add.f32.msk $0xffff, v2  }
0x194: {  	[tilespmem:s21+$0x20] =	vst.add.f32.msk $0xffff, v3  }
0x195: {  	[tilespmem:s21+$0x30] =	vst.add.f32.msk $0xffff, v4  }
0x196: {  	[tilespmem:s21+$0x40] =	vst.add.f32.msk $0xffff, v63  }
0x197: {  	[tilespmem:s21+$0x50] =	vst.add.f32.msk $0xffff, v5  }
0x198: {  	s26 =	simm.s32 $0x0;
	s22 =	rddreg [dreg:$0xf];
	[tilespmem:s21+$0x60] =	vst.add.f32.msk $0xffff, v6  }
0x199: {  	[hbm4b:s22+s26] =	stream.linear.scatter [tilespmem:s26], [sflag:$0x5], $0x4800, $0x38;
	[tilespmem:$0x1B000] =	vst v63  }
0x19a: {  	_ =	swait.ge [sflag:s19], $0x4800  }
0x19b: {  	[sflag:s19] =	ssyncset.done $0x0  }
0x19c: {  	s28 =	rddreg [dreg:$0x10];
	[sflag:s19] =	ssyncadd.s32 $0xFFFFB800  }
0x19d: {  	[tilespmem:s10], [sflag:$0x4] =	stream.linear.gather [hbm4b:s28+s26], $0x4800, $0x38;
	[tilespmem:$0x1B000] =	vst v63  }
0x19e: {  	_ =	swait.ge [sflag:s11], $0x4800  }
0x19f: {  	[sflag:s11] =	ssyncset.done $0x0  }
0x1a0: {  	s21 =	simm.s32 $0x0;
	s22 =	simm.s32 $0x200;
	[sflag:s11] =	ssyncadd.s32 $0xFFFFB800  }
.LBB2_22:
0x1a1: {  	p0 =	sne.s32 s22, $0x11E00;
	v0 =	vld [tilespmem:s21+$0x12070]  }
0x1a2: {  	v1 =	vld [tilespmem:s21+$0x12000]  }
0x1a3: {  	v2 =	vld [tilespmem:s21+$0x12010]  }
0x1a4: {  	v3 =	vld [tilespmem:s21+$0x12020]  }
0x1a5: {  	v4 =	vld [tilespmem:s21+$0x12030]  }
0x1a6: {  	[tilespmem:s21+$0x4870] =	vst.add.f32.msk $0xffff, v0  }
0x1a7: {  	v0 =	vld [tilespmem:s21+$0x12040]  }
0x1a8: {  	v5 =	vld [tilespmem:s21+$0x12050]  }
0x1a9: {  	v6 =	vld [tilespmem:s21+$0x12060]  }
0x1aa: {  	[tilespmem:s21+$0x4800] =	vst.add.f32.msk $0xffff, v1  }
0x1ab: {  	[tilespmem:s21+$0x4810] =	vst.add.f32.msk $0xffff, v2  }
.Ltmp10:
0x1ac: {  	[tilespmem:s21+$0x4820] =	vst.add.f32.msk $0xffff, v3;
	(pc) =	sbr.rel @p0 .LBB2_22-.Ltmp10, $4  }
0x1ad: {  	[tilespmem:s21+$0x4830] =	vst.add.f32.msk $0xffff, v4  }
0x1ae: {  	[tilespmem:s21+$0x4840] =	vst.add.f32.msk $0xffff, v0  }
0x1af: {  	[tilespmem:s21+$0x4850] =	vst.add.f32.msk $0xffff, v5  }
0x1b0: {  	[tilespmem:s21+$0x4860] =	vst.add.f32.msk $0xffff, v6;
	s21 =	sshra.s32 s22, $0x2;
	s22 =	sadd.s32 $0x200, s22  }
0x1b1: {  	v0 =	vld [tilespmem:s21+$0x12070]  }
0x1b2: {  	v1 =	vld [tilespmem:s21+$0x12000]  }
0x1b3: {  	v2 =	vld [tilespmem:s21+$0x12010]  }
0x1b4: {  	v3 =	vld [tilespmem:s21+$0x12020]  }
0x1b5: {  	v4 =	vld [tilespmem:s21+$0x12030]  }
0x1b6: {  	v63 =	vld [tilespmem:s21+$0x12040]  }
0x1b7: {  	v5 =	vld [tilespmem:s21+$0x12050]  }
0x1b8: {  	v6 =	vld [tilespmem:s21+$0x12060]  }
0x1b9: {  	[tilespmem:s21+$0x4870] =	vst.add.f32.msk $0xffff, v0  }
0x1ba: {  	[tilespmem:s21+$0x4800] =	vst.add.f32.msk $0xffff, v1  }
0x1bb: {  	[tilespmem:s21+$0x4810] =	vst.add.f32.msk $0xffff, v2  }
0x1bc: {  	[tilespmem:s21+$0x4820] =	vst.add.f32.msk $0xffff, v3  }
0x1bd: {  	[tilespmem:s21+$0x4830] =	vst.add.f32.msk $0xffff, v4  }
0x1be: {  	[tilespmem:s21+$0x4840] =	vst.add.f32.msk $0xffff, v63  }
0x1bf: {  	[tilespmem:s21+$0x4850] =	vst.add.f32.msk $0xffff, v5  }
0x1c0: {  	s28 =	simm.s32 $0x0;
	s22 =	rddreg [dreg:$0x13];
	[tilespmem:s21+$0x4860] =	vst.add.f32.msk $0xffff, v6  }
0x1c1: {  	[hbm4b:s22+s28] =	stream.linear.scatter [tilespmem:s30], [sflag:$0x6], $0x4800, $0x38;
	[tilespmem:$0x1B000] =	vst v63  }
0x1c2: {  	_ =	swait.ge [sflag:s14], $0x4800  }
0x1c3: {  	[sflag:s14] =	ssyncset.done $0x0  }
0x1c4: {  	[sflag:s14] =	ssyncadd.s32 $0xFFFFB800  }
0x1c5: {  	_ =	swait.ge [sflag:s15], $0x4800  }
0x1c6: {  	[sflag:s15] =	ssyncset.done $0x0  }
0x1c7: {  	s21 =	simm.s32 $0x0;
	s22 =	simm.s32 $0x200;
	[sflag:s15] =	ssyncadd.s32 $0xFFFFB800  }
.LBB2_24:
0x1c8: {  	p0 =	sne.s32 s22, $0x11E00;
	v0 =	vld [tilespmem:s21+$0x16870]  }
0x1c9: {  	v1 =	vld [tilespmem:s21+$0x16800]  }
0x1ca: {  	v2 =	vld [tilespmem:s21+$0x16810]  }
0x1cb: {  	v3 =	vld [tilespmem:s21+$0x16820]  }
0x1cc: {  	v4 =	vld [tilespmem:s21+$0x16830]  }
0x1cd: {  	[tilespmem:s21+$0x9070] =	vst.add.f32.msk $0xffff, v0  }
0x1ce: {  	v0 =	vld [tilespmem:s21+$0x16840]  }
0x1cf: {  	v5 =	vld [tilespmem:s21+$0x16850]  }
0x1d0: {  	v6 =	vld [tilespmem:s21+$0x16860]  }
0x1d1: {  	[tilespmem:s21+$0x9000] =	vst.add.f32.msk $0xffff, v1  }
0x1d2: {  	[tilespmem:s21+$0x9010] =	vst.add.f32.msk $0xffff, v2  }
.Ltmp11:
0x1d3: {  	[tilespmem:s21+$0x9020] =	vst.add.f32.msk $0xffff, v3;
	(pc) =	sbr.rel @p0 .LBB2_24-.Ltmp11, $4  }
0x1d4: {  	[tilespmem:s21+$0x9030] =	vst.add.f32.msk $0xffff, v4  }
0x1d5: {  	[tilespmem:s21+$0x9040] =	vst.add.f32.msk $0xffff, v0  }
0x1d6: {  	[tilespmem:s21+$0x9050] =	vst.add.f32.msk $0xffff, v5  }
0x1d7: {  	[tilespmem:s21+$0x9060] =	vst.add.f32.msk $0xffff, v6;
	s21 =	sshra.s32 s22, $0x2;
	s22 =	sadd.s32 $0x200, s22  }
0x1d8: {  	v0 =	vld [tilespmem:s21+$0x16870]  }
0x1d9: {  	v1 =	vld [tilespmem:s21+$0x16800]  }
0x1da: {  	v2 =	vld [tilespmem:s21+$0x16810]  }
0x1db: {  	v3 =	vld [tilespmem:s21+$0x16820]  }
0x1dc: {  	v4 =	vld [tilespmem:s21+$0x16830]  }
0x1dd: {  	v63 =	vld [tilespmem:s21+$0x16840]  }
0x1de: {  	v5 =	vld [tilespmem:s21+$0x16850]  }
0x1df: {  	v6 =	vld [tilespmem:s21+$0x16860]  }
0x1e0: {  	[tilespmem:s21+$0x9070] =	vst.add.f32.msk $0xffff, v0  }
0x1e1: {  	[tilespmem:s21+$0x9000] =	vst.add.f32.msk $0xffff, v1  }
0x1e2: {  	[tilespmem:s21+$0x9010] =	vst.add.f32.msk $0xffff, v2  }
0x1e3: {  	[tilespmem:s21+$0x9020] =	vst.add.f32.msk $0xffff, v3  }
0x1e4: {  	[tilespmem:s21+$0x9030] =	vst.add.f32.msk $0xffff, v4  }
0x1e5: {  	[tilespmem:s21+$0x9040] =	vst.add.f32.msk $0xffff, v63  }
0x1e6: {  	[tilespmem:s21+$0x9050] =	vst.add.f32.msk $0xffff, v5  }
0x1e7: {  	s28 =	simm.s32 $0x0;
	s22 =	rddreg [dreg:$0x14];
	[tilespmem:s21+$0x9060] =	vst.add.f32.msk $0xffff, v6  }
0x1e8: {  	[hbm4b:s22+s28] =	stream.linear.scatter [tilespmem:s31], [sflag:$0x7], $0x4800, $0x38;
	[tilespmem:$0x1B000] =	vst v63  }
0x1e9: {  	_ =	swait.ge [sflag:s17], $0x4800  }
0x1ea: {  	[sflag:s17] =	ssyncset.done $0x0  }
0x1eb: {  	s21 =	simm.s32 $0x0;
	s22 =	simm.s32 $0x200;
	[sflag:s17] =	ssyncadd.s32 $0xFFFFB800  }
.LBB2_26:
0x1ec: {  	p0 =	sne.s32 s22, $0x11E00;
	v0 =	vld [tilespmem:s21+$0x16870]  }
0x1ed: {  	v1 =	vld [tilespmem:s21+$0x16800]  }
0x1ee: {  	v2 =	vld [tilespmem:s21+$0x16810]  }
0x1ef: {  	v3 =	vld [tilespmem:s21+$0x16820]  }
0x1f0: {  	v4 =	vld [tilespmem:s21+$0x16830]  }
0x1f1: {  	[tilespmem:s21+$0xD870] =	vst.add.f32.msk $0xffff, v0  }
0x1f2: {  	v0 =	vld [tilespmem:s21+$0x16840]  }
0x1f3: {  	v5 =	vld [tilespmem:s21+$0x16850]  }
0x1f4: {  	v6 =	vld [tilespmem:s21+$0x16860]  }
0x1f5: {  	[tilespmem:s21+$0xD800] =	vst.add.f32.msk $0xffff, v1  }
0x1f6: {  	[tilespmem:s21+$0xD810] =	vst.add.f32.msk $0xffff, v2  }
.Ltmp12:
0x1f7: {  	[tilespmem:s21+$0xD820] =	vst.add.f32.msk $0xffff, v3;
	(pc) =	sbr.rel @p0 .LBB2_26-.Ltmp12, $4  }
0x1f8: {  	[tilespmem:s21+$0xD830] =	vst.add.f32.msk $0xffff, v4  }
0x1f9: {  	[tilespmem:s21+$0xD840] =	vst.add.f32.msk $0xffff, v0  }
0x1fa: {  	[tilespmem:s21+$0xD850] =	vst.add.f32.msk $0xffff, v5  }
0x1fb: {  	[tilespmem:s21+$0xD860] =	vst.add.f32.msk $0xffff, v6;
	s21 =	sshra.s32 s22, $0x2;
	s22 =	sadd.s32 $0x200, s22  }
0x1fc: {  	v0 =	vld [tilespmem:s21+$0x16870]  }
0x1fd: {  	v1 =	vld [tilespmem:s21+$0x16800]  }
0x1fe: {  	v2 =	vld [tilespmem:s21+$0x16810]  }
0x1ff: {  	v3 =	vld [tilespmem:s21+$0x16820]  }
0x200: {  	v4 =	vld [tilespmem:s21+$0x16830]  }
0x201: {  	v63 =	vld [tilespmem:s21+$0x16840]  }
0x202: {  	v5 =	vld [tilespmem:s21+$0x16850]  }
0x203: {  	v6 =	vld [tilespmem:s21+$0x16860]  }
0x204: {  	[tilespmem:s21+$0xD870] =	vst.add.f32.msk $0xffff, v0  }
0x205: {  	[tilespmem:s21+$0xD800] =	vst.add.f32.msk $0xffff, v1  }
0x206: {  	[tilespmem:s21+$0xD810] =	vst.add.f32.msk $0xffff, v2  }
0x207: {  	[tilespmem:s21+$0xD820] =	vst.add.f32.msk $0xffff, v3  }
0x208: {  	[tilespmem:s21+$0xD830] =	vst.add.f32.msk $0xffff, v4  }
0x209: {  	[tilespmem:s21+$0xD840] =	vst.add.f32.msk $0xffff, v63  }
0x20a: {  	[tilespmem:s21+$0xD850] =	vst.add.f32.msk $0xffff, v5  }
0x20b: {  	s26 =	rddreg [dreg:$0x11];
	[tilespmem:s21+$0xD860] =	vst.add.f32.msk $0xffff, v6  }
0x20c: {  	[hbm4b:s26+s3] =	stream.linear.scatter [tilespmem:s10], [sflag:$0x8], $0x4800, $0x38;
	[tilespmem:$0x1B000] =	vst v63  }
0x20d: {  	_ =	swait.ge [sflag:s13], $0x4800  }
0x20e: {  	[sflag:s13] =	ssyncset.done $0x0  }
0x20f: {  	[sflag:s13] =	ssyncadd.s32 $0xFFFFB800  }
0x210: {  	_ =	swait.ge [sflag:s16], $0x4800  }
0x211: {  	[sflag:s16] =	ssyncset.done $0x0  }
0x212: {  	[sflag:s16] =	ssyncadd.s32 $0xFFFFB800  }
0x213: {  	_ =	swait.ge [sflag:s18], $0x4800  }
0x214: {  	[sflag:s18] =	ssyncset.done $0x0  }
0x215: {  	[sflag:s18] =	ssyncadd.s32 $0xFFFFB800  }
0x216: {  	_ =	swait.ge [sflag:s19], $0x4800  }
0x217: {  	s20 =	sadd.s32 $0x1, s20;
	s28 =	rddreg [dreg:$0x12]  }
0x218: {  	p0 =	sne.s32 s20, s28  }
.Ltmp13:
0x219: {  	_ = 	snop;
	(pc) =	sbr.rel @p0 .LBB2_1-.Ltmp13, $3  }
0x21a: {  	_ =	sdelay $0x1  }
0x21b: {  	[sflag:s19] =	ssyncset.done $0x0  }
0x21c: {  	[sflag:s19] =	ssyncadd.s32 $0xFFFFB800  }
0x21d: {  	_ =	sfence.sel $0x180000  }
0x21e: {  	[bflag:$0x0] =	sbarrier.arrive $0xFFFF  }
0x21f: {  	_ =	strace $0x90000047  }
0x220: {  	s0 =	stileid.u32;
	[bflag:$0x2] =	sbarrier.arrive $0xFFFF  }
0x221: {  	p0 =	sne.s32 s0, $0x0;
	s0 =	rddreg [dreg:$0x2]  }
0x222: {  	s0 =	sadd.s32 @!p0 $0x100000, s0  }
0x223: {  	[sflag:s0] =	ssyncadd.tile.s32 @!p0 $0x1;
	_ =	shalt  }
.Lfunc_end2:
_tile_overlayer_lowered:
.L_overlay_start_2:
0x224: {  	(tag) =	ssettag $0x2  }
0x225: {  	s0 =	rddreg [dreg:$0x0];
	s2 =	stileid.u32  }
0x226: {  	s1 =	rddreg [dreg:$0x1];
	p0 =	sne.s32 s2, $0x0  }
0x227: {  	s3 =	rddreg [dreg:$0x2];
	[bflag:$0x3] =	sbarrier.arrive $0xFFFF;
	s2 =	simm.s32 @!p0 $0x1C0B  }
0x228: {  	[timem:s3], [sflag:s2] =	dma.local @!p0 [hbm:s0], s1  }
0x229: {  	s0 =	simm.s32 @!p0 $0xB  }
0x22a: {  	_ =	swait.ge @!p0 [sflag:s0], s1  }
0x22b: {  	s1 =	ssub.s32 @!p0 $0x0, s1;
	[sflag:s0] =	ssyncset.done @!p0 $0x0  }
0x22c: {  	[sflag:s0] =	ssyncadd.s32 @!p0 s1  }
0x22d: {  	[bflag:$0x3] =	sbarrier.arrive $0xFFFF  }
0x22e: {  	_ =	shalt  }

</sc_bundles>
